<compile_context>
chip_gen: v7x
topology: tpu7x:2x2x1
jax: 0.10.2.dev20260603
libtpu: 0.0.44.dev20260713+nightly
codegen_flags: <defaults>
</compile_context>

<pallas_src>
import functools

import jax
import jax.numpy as jnp
from jax import lax
from jax.experimental import pallas as pl
from jax.experimental.pallas import tpu as pltpu
from jax.experimental.pallas import tpu_sc as plsc

_B = 16384
_D = 64
_NC = 2
_NS = 16
_L = 16
_NW = _NC * _NS
_BPW = _B // _NW
_GROUPS = _BPW // _L


def _rsqrt(v):
    i = lax.bitcast_convert_type(v, jnp.int32)
    i = jnp.int32(0x5F3759DF) - lax.shift_right_arithmetic(i, 1)
    y = lax.bitcast_convert_type(i, jnp.float32)
    vh = v * 0.5
    for _ in range(3):
        y = y * (1.5 - vh * y * y)
    return y


def _make_kernel():
    mesh = plsc.VectorSubcoreMesh(core_axis_name="c", subcore_axis_name="s")

    @functools.partial(
        pl.kernel,
        mesh=mesh,
        compiler_params=pltpu.CompilerParams(
            needs_layout_passes=False, use_tc_tiling_on_sc=False
        ),
        out_type=jax.ShapeDtypeStruct((_NW, _L), jnp.float32),
        scratch_types=[
            pltpu.VMEM((_BPW,), jnp.int32),
            pltpu.VMEM((_BPW, _D), jnp.float32),
            pltpu.VMEM((_BPW, _D), jnp.float32),
            pltpu.VMEM((_L,), jnp.float32),
            pltpu.SemaphoreType.DMA,
        ],
    )
    def run(x_hbm, lab_hbm, cen_hbm, out_hbm, lab_v, x_v, c_v, acc_v, sem):
        wid = lax.axis_index("s") * _NC + lax.axis_index("c")
        base = wid * _BPW
        pltpu.sync_copy(lab_hbm.at[pl.ds(base, _BPW)], lab_v)
        gather = pltpu.async_copy(cen_hbm.at[lab_v], c_v, sem)
        pltpu.sync_copy(x_hbm.at[pl.ds(base, _BPW)], x_v)
        gather.wait()

        lanes = lax.iota(jnp.int32, 16)

        def group_body(g, tot):
            rows = g * _L + lanes
            z = jnp.zeros((_L,), jnp.float32)
            sx, sc, dt = z, z, z
            for d in range(_D):
                col = jnp.full((_L,), d, jnp.int32)
                xv = plsc.load_gather(x_v, [rows, col])
                cv = plsc.load_gather(c_v, [rows, col])
                sx = sx + xv * xv
                sc = sc + cv * cv
                dt = dt + xv * cv
            rx = jnp.minimum(_rsqrt(sx), 1e12)
            rc = jnp.minimum(_rsqrt(sc), 1e12)
            dist = sx * rx * rx + sc * rc * rc - 2.0 * dt * rx * rc
            dist = jnp.clip(dist, 1e-12, 1e12)
            return tot + dist

        tot = lax.fori_loop(0, _GROUPS, group_body, jnp.zeros((_L,), jnp.float32))
        acc_v[...] = tot * (1.0 / _B)
        pltpu.sync_copy(acc_v, out_hbm.at[wid])

    return run


def kernel(x, labels, idx, centers):
    del idx
    run = _make_kernel()
    part = run(x, labels.astype(jnp.int32), centers)
    return jnp.sum(part)

# --- scband reference (transcript-rebuilt; emitter-appended) ---
"""Pipeline reference for scband-center-loss-90366111908299 (READ-ONLY COPY).

The authoritative reference and input builder live on the scoring server;
editing this copy changes nothing except your own understanding.
"""

import jax, jax.numpy as jnp
import numpy as np

B = 16384
NUM_CLASSES = 100000
FEAT_DIM = 64


def _normalize(v, axis=1, eps=1e-12):
    # Matches torch.nn.functional.normalize(p=2): divide by clamped L2 norm
    n = jnp.sqrt(jnp.sum(v * v, axis=axis, keepdims=True))
    return v / jnp.maximum(n, eps)


def setup_inputs(seed: int = 0) -> dict:
    key = jax.random.key(seed)
    k1, k2, k3, k4 = jax.random.split(key, 4)
    x = jax.random.normal(k1, (B, FEAT_DIM), dtype=jnp.float32)
    labels = jax.random.randint(k2, (B,), 0, NUM_CLASSES, dtype=jnp.int64 if jax.config.jax_enable_x64 else jnp.int32)
    idx = jax.random.randint(k3, (B,), 0, B, dtype=jnp.int64 if jax.config.jax_enable_x64 else jnp.int32)
    centers = jax.random.normal(k4, (NUM_CLASSES, FEAT_DIM), dtype=jnp.float32)
    return {"x": x, "labels": labels, "idx": idx, "centers": centers}


def reference(x, labels, idx, centers):
    # idx is accepted but unused, matching the torch forward signature
    xn = _normalize(x, axis=1)
    cn = _normalize(centers, axis=1)
    center = jnp.take(cn, labels, axis=0)  # gather over class table (SparseCore gather)
    dist = jnp.sum((xn - center) ** 2, axis=-1)
    loss = jnp.mean(jnp.clip(dist, 1e-12, 1e12), axis=-1)
    return loss

if __name__ == "__main__":
    import jax
    _d = setup_inputs()
    print(jax.jit(kernel)(*tuple(_d.values())))

</pallas_src>

<mosaic_0001>
#map = affine_map<(d0, d1) -> (0, 0)>
#map1 = affine_map<(d0, d1) -> (0)>
module attributes {stable_mosaic.version = 14 : i64} {
  func.func @run(%arg0: i32, %arg1: i32, %arg2: memref<16384x64xf32, #tpu.memory_space<hbm>>, %arg3: memref<16384xi32, #tpu.memory_space<hbm>>, %arg4: memref<100000x64xf32, #tpu.memory_space<hbm>>, %arg5: memref<32x16xf32, #tpu.memory_space<hbm>>, %arg6: memref<512xi32, #tpu.memory_space<vmem>>, %arg7: memref<512x64xf32, #tpu.memory_space<vmem>>, %arg8: memref<512x64xf32, #tpu.memory_space<vmem>>, %arg9: memref<16xf32, #tpu.memory_space<vmem>>, %arg10: memref<!tpu.dma_semaphore, #tpu.memory_space<semaphore_mem>>) attributes {dimension_semantics = [#tpu.dimension_semantics<core_parallel>, #tpu.dimension_semantics<subcore_parallel>], iteration_bounds = array<i64: 2, 16>, scalar_prefetch = 0 : i64, scratch_operands = 5 : i64, tpu.core_type = #tpu.core_type<sc_vector_subcore>, window_params = [{transform_indices = #map}, {transform_indices = #map1}, {transform_indices = #map}, {transform_indices = #map}]} {
    %mul3A = arith.constant 2 : i32
    %mul3A_0 = arith.muli %arg1, %mul3A : i32
    %add3A = arith.addi %mul3A_0, %arg0 : i32
    %mul3A_1 = arith.constant 512 : i32
    %mul3A_2 = arith.muli %add3A, %mul3A_1 : i32
    "tpu.region"() ({
      %run_scoped3A = tpu.sem_alloc : memref<!tpu.dma_semaphore, #tpu.memory_space<semaphore_mem>>
      %dma_start3A_17 = tpu.memref_slice %arg3[%mul3A_2] : memref<16384xi32, #tpu.memory_space<hbm>> -> memref<512xi32, #tpu.memory_space<hbm>>
      %dma_start3A_18 = tpu.memref_slice %arg3[%mul3A_2] : memref<16384xi32, #tpu.memory_space<hbm>> -> memref<512xi32, #tpu.memory_space<hbm>>
      tpu.enqueue_dma source(%dma_start3A_18 : memref<512xi32, #tpu.memory_space<hbm>>) target(%arg6 : memref<512xi32, #tpu.memory_space<vmem>>) target_semaphore(%run_scoped3A : memref<!tpu.dma_semaphore, #tpu.memory_space<semaphore_mem>>)
      %dma_wait3A_19 = tpu.memref_slice %arg3[%mul3A_2] : memref<16384xi32, #tpu.memory_space<hbm>> -> memref<512xi32, #tpu.memory_space<hbm>>
      %dma_wait3A_20 = tpu.memref_slice %arg3[%mul3A_2] : memref<16384xi32, #tpu.memory_space<hbm>> -> memref<512xi32, #tpu.memory_space<hbm>>
      tpu.wait_dma2 semaphore(%run_scoped3A : memref<!tpu.dma_semaphore, #tpu.memory_space<semaphore_mem>>) src(%dma_wait3A_20 : memref<512xi32, #tpu.memory_space<hbm>>) dst(%arg6 : memref<512xi32, #tpu.memory_space<vmem>>)
      tpu.yield
    }) : () -> ()
    %dma_start3A = arith.constant 0 : i32
    %dma_start3A_3 = arith.constant 0 : i32
    %dma_start3A_4 = tpu.memref_slice %arg4[%dma_start3A, %dma_start3A_3] : memref<100000x64xf32, #tpu.memory_space<hbm>> -> memref<100000x64xf32, #tpu.memory_space<hbm>>
    tpu.enqueue_indirect_dma source(%dma_start3A_4 : memref<100000x64xf32, #tpu.memory_space<hbm>>) target(%arg8 : memref<512x64xf32, #tpu.memory_space<vmem>>) offsets(%arg6 : memref<512xi32, #tpu.memory_space<vmem>>) semaphore(%arg10 : memref<!tpu.dma_semaphore, #tpu.memory_space<semaphore_mem>>)
    "tpu.region"() ({
      %run_scoped3A = tpu.sem_alloc : memref<!tpu.dma_semaphore, #tpu.memory_space<semaphore_mem>>
      %dma_start3A_17 = arith.constant 0 : i32
      %dma_start3A_18 = tpu.memref_slice %arg2[%mul3A_2, %dma_start3A_17] : memref<16384x64xf32, #tpu.memory_space<hbm>> -> memref<512x64xf32, #tpu.memory_space<hbm>>
      %dma_start3A_19 = arith.constant 0 : i32
      %dma_start3A_20 = tpu.memref_slice %arg2[%mul3A_2, %dma_start3A_19] : memref<16384x64xf32, #tpu.memory_space<hbm>> -> memref<512x64xf32, #tpu.memory_space<hbm>>
      tpu.enqueue_dma source(%dma_start3A_20 : memref<512x64xf32, #tpu.memory_space<hbm>>) target(%arg7 : memref<512x64xf32, #tpu.memory_space<vmem>>) target_semaphore(%run_scoped3A : memref<!tpu.dma_semaphore, #tpu.memory_space<semaphore_mem>>)
      %dma_wait3A_21 = arith.constant 0 : i32
      %dma_wait3A_22 = tpu.memref_slice %arg2[%mul3A_2, %dma_wait3A_21] : memref<16384x64xf32, #tpu.memory_space<hbm>> -> memref<512x64xf32, #tpu.memory_space<hbm>>
      %dma_wait3A_23 = arith.constant 0 : i32
      %dma_wait3A_24 = tpu.memref_slice %arg2[%mul3A_2, %dma_wait3A_23] : memref<16384x64xf32, #tpu.memory_space<hbm>> -> memref<512x64xf32, #tpu.memory_space<hbm>>
      tpu.wait_dma2 semaphore(%run_scoped3A : memref<!tpu.dma_semaphore, #tpu.memory_space<semaphore_mem>>) src(%dma_wait3A_24 : memref<512x64xf32, #tpu.memory_space<hbm>>) dst(%arg7 : memref<512x64xf32, #tpu.memory_space<vmem>>)
      tpu.yield
    }) : () -> ()
    %dma_wait3A = arith.constant 0 : i32
    %dma_wait3A_5 = arith.constant 0 : i32
    %dma_wait3A_6 = tpu.memref_slice %arg4[%dma_wait3A, %dma_wait3A_5] : memref<100000x64xf32, #tpu.memory_space<hbm>> -> memref<100000x64xf32, #tpu.memory_space<hbm>>
    tpu.wait_indirect_dma semaphore(%arg10 : memref<!tpu.dma_semaphore, #tpu.memory_space<semaphore_mem>>) src(%dma_wait3A_6 : memref<100000x64xf32, #tpu.memory_space<hbm>>) dst(%arg8 : memref<512x64xf32, #tpu.memory_space<vmem>>)
    %iota3A = tpu.iota {dimensions = array<i32: 0>} : vector<16xi32>
    %broadcast_in_dim3A = arith.constant 0.000000e+00 : f32
    %broadcast_in_dim3A_7 = vector.broadcast %broadcast_in_dim3A : f32 to vector<16xf32>
    %scan3A = arith.constant 0 : i32
    %scan3A_8 = arith.constant 32 : i32
    %scan3A_9 = arith.addi %scan3A, %scan3A_8 : i32
    %scan3A_10 = arith.constant 1 : i32
    %scan3A_11 = scf.for %scan3A_17 = %scan3A to %scan3A_9 step %scan3A_10 iter_args(%scan3A_18 = %broadcast_in_dim3A_7) -> (vector<16xf32>)  : i32 {
      %mul3A_19 = arith.constant 16 : i32
      %mul3A_20 = arith.muli %scan3A_17, %mul3A_19 : i32
      %add3A_21 = vector.broadcast %mul3A_20 : i32 to vector<16xi32>
      %add3A_22 = arith.addi %add3A_21, %iota3A : vector<16xi32>
      %broadcast_in_dim3A_23 = arith.constant 0.000000e+00 : f32
      %broadcast_in_dim3A_24 = vector.broadcast %broadcast_in_dim3A_23 : f32 to vector<16xf32>
      %broadcast_in_dim3A_25 = arith.constant 0 : i32
      %broadcast_in_dim3A_26 = vector.broadcast %broadcast_in_dim3A_25 : i32 to vector<16xi32>
      %gather3A = tpu.vector_load_idx %arg7[%add3A_22, %broadcast_in_dim3A_26] : memref<512x64xf32, #tpu.memory_space<vmem>>[vector<16xi32>, vector<16xi32>], vector<16xf32>,
      %gather3A_27 = tpu.vector_load_idx %arg8[%add3A_22, %broadcast_in_dim3A_26] : memref<512x64xf32, #tpu.memory_space<vmem>>[vector<16xi32>, vector<16xi32>], vector<16xf32>,
      %mul3A_28 = arith.mulf %gather3A, %gather3A : vector<16xf32>
      %add3A_29 = arith.addf %broadcast_in_dim3A_24, %mul3A_28 : vector<16xf32>
      %mul3A_30 = arith.mulf %gather3A_27, %gather3A_27 : vector<16xf32>
      %add3A_31 = arith.addf %broadcast_in_dim3A_24, %mul3A_30 : vector<16xf32>
      %mul3A_32 = arith.mulf %gather3A, %gather3A_27 : vector<16xf32>
      %add3A_33 = arith.addf %broadcast_in_dim3A_24, %mul3A_32 : vector<16xf32>
      %broadcast_in_dim3A_34 = arith.constant 1 : i32
      %broadcast_in_dim3A_35 = vector.broadcast %broadcast_in_dim3A_34 : i32 to vector<16xi32>
      %gather3A_36 = tpu.vector_load_idx %arg7[%add3A_22, %broadcast_in_dim3A_35] : memref<512x64xf32, #tpu.memory_space<vmem>>[vector<16xi32>, vector<16xi32>], vector<16xf32>,
      %gather3A_37 = tpu.vector_load_idx %arg8[%add3A_22, %broadcast_in_dim3A_35] : memref<512x64xf32, #tpu.memory_space<vmem>>[vector<16xi32>, vector<16xi32>], vector<16xf32>,
      %mul3A_38 = arith.mulf %gather3A_36, %gather3A_36 : vector<16xf32>
      %add3A_39 = arith.addf %add3A_29, %mul3A_38 : vector<16xf32>
      %mul3A_40 = arith.mulf %gather3A_37, %gather3A_37 : vector<16xf32>
      %add3A_41 = arith.addf %add3A_31, %mul3A_40 : vector<16xf32>
      %mul3A_42 = arith.mulf %gather3A_36, %gather3A_37 : vector<16xf32>
      %add3A_43 = arith.addf %add3A_33, %mul3A_42 : vector<16xf32>
      %broadcast_in_dim3A_44 = arith.constant 2 : i32
      %broadcast_in_dim3A_45 = vector.broadcast %broadcast_in_dim3A_44 : i32 to vector<16xi32>
      %gather3A_46 = tpu.vector_load_idx %arg7[%add3A_22, %broadcast_in_dim3A_45] : memref<512x64xf32, #tpu.memory_space<vmem>>[vector<16xi32>, vector<16xi32>], vector<16xf32>,
      %gather3A_47 = tpu.vector_load_idx %arg8[%add3A_22, %broadcast_in_dim3A_45] : memref<512x64xf32, #tpu.memory_space<vmem>>[vector<16xi32>, vector<16xi32>], vector<16xf32>,
      %mul3A_48 = arith.mulf %gather3A_46, %gather3A_46 : vector<16xf32>
      %add3A_49 = arith.addf %add3A_39, %mul3A_48 : vector<16xf32>
      %mul3A_50 = arith.mulf %gather3A_47, %gather3A_47 : vector<16xf32>
      %add3A_51 = arith.addf %add3A_41, %mul3A_50 : vector<16xf32>
      %mul3A_52 = arith.mulf %gather3A_46, %gather3A_47 : vector<16xf32>
      %add3A_53 = arith.addf %add3A_43, %mul3A_52 : vector<16xf32>
      %broadcast_in_dim3A_54 = arith.constant 3 : i32
      %broadcast_in_dim3A_55 = vector.broadcast %broadcast_in_dim3A_54 : i32 to vector<16xi32>
      %gather3A_56 = tpu.vector_load_idx %arg7[%add3A_22, %broadcast_in_dim3A_55] : memref<512x64xf32, #tpu.memory_space<vmem>>[vector<16xi32>, vector<16xi32>], vector<16xf32>,
      %gather3A_57 = tpu.vector_load_idx %arg8[%add3A_22, %broadcast_in_dim3A_55] : memref<512x64xf32, #tpu.memory_space<vmem>>[vector<16xi32>, vector<16xi32>], vector<16xf32>,
      %mul3A_58 = arith.mulf %gather3A_56, %gather3A_56 : vector<16xf32>
      %add3A_59 = arith.addf %add3A_49, %mul3A_58 : vector<16xf32>
      %mul3A_60 = arith.mulf %gather3A_57, %gather3A_57 : vector<16xf32>
      %add3A_61 = arith.addf %add3A_51, %mul3A_60 : vector<16xf32>
      %mul3A_62 = arith.mulf %gather3A_56, %gather3A_57 : vector<16xf32>
      %add3A_63 = arith.addf %add3A_53, %mul3A_62 : vector<16xf32>
      %broadcast_in_dim3A_64 = arith.constant 4 : i32
      %broadcast_in_dim3A_65 = vector.broadcast %broadcast_in_dim3A_64 : i32 to vector<16xi32>
      %gather3A_66 = tpu.vector_load_idx %arg7[%add3A_22, %broadcast_in_dim3A_65] : memref<512x64xf32, #tpu.memory_space<vmem>>[vector<16xi32>, vector<16xi32>], vector<16xf32>,
      %gather3A_67 = tpu.vector_load_idx %arg8[%add3A_22, %broadcast_in_dim3A_65] : memref<512x64xf32, #tpu.memory_space<vmem>>[vector<16xi32>, vector<16xi32>], vector<16xf32>,
      %mul3A_68 = arith.mulf %gather3A_66, %gather3A_66 : vector<16xf32>
      %add3A_69 = arith.addf %add3A_59, %mul3A_68 : vector<16xf32>
      %mul3A_70 = arith.mulf %gather3A_67, %gather3A_67 : vector<16xf32>
      %add3A_71 = arith.addf %add3A_61, %mul3A_70 : vector<16xf32>
      %mul3A_72 = arith.mulf %gather3A_66, %gather3A_67 : vector<16xf32>
      %add3A_73 = arith.addf %add3A_63, %mul3A_72 : vector<16xf32>
      %broadcast_in_dim3A_74 = arith.constant 5 : i32
      %broadcast_in_dim3A_75 = vector.broadcast %broadcast_in_dim3A_74 : i32 to vector<16xi32>
      %gather3A_76 = tpu.vector_load_idx %arg7[%add3A_22, %broadcast_in_dim3A_75] : memref<512x64xf32, #tpu.memory_space<vmem>>[vector<16xi32>, vector<16xi32>], vector<16xf32>,
      %gather3A_77 = tpu.vector_load_idx %arg8[%add3A_22, %broadcast_in_dim3A_75] : memref<512x64xf32, #tpu.memory_space<vmem>>[vector<16xi32>, vector<16xi32>], vector<16xf32>,
      %mul3A_78 = arith.mulf %gather3A_76, %gather3A_76 : vector<16xf32>
      %add3A_79 = arith.addf %add3A_69, %mul3A_78 : vector<16xf32>
      %mul3A_80 = arith.mulf %gather3A_77, %gather3A_77 : vector<16xf32>
      %add3A_81 = arith.addf %add3A_71, %mul3A_80 : vector<16xf32>
      %mul3A_82 = arith.mulf %gather3A_76, %gather3A_77 : vector<16xf32>
      %add3A_83 = arith.addf %add3A_73, %mul3A_82 : vector<16xf32>
      %broadcast_in_dim3A_84 = arith.constant 6 : i32
      %broadcast_in_dim3A_85 = vector.broadcast %broadcast_in_dim3A_84 : i32 to vector<16xi32>
      %gather3A_86 = tpu.vector_load_idx %arg7[%add3A_22, %broadcast_in_dim3A_85] : memref<512x64xf32, #tpu.memory_space<vmem>>[vector<16xi32>, vector<16xi32>], vector<16xf32>,
      %gather3A_87 = tpu.vector_load_idx %arg8[%add3A_22, %broadcast_in_dim3A_85] : memref<512x64xf32, #tpu.memory_space<vmem>>[vector<16xi32>, vector<16xi32>], vector<16xf32>,
      %mul3A_88 = arith.mulf %gather3A_86, %gather3A_86 : vector<16xf32>
      %add3A_89 = arith.addf %add3A_79, %mul3A_88 : vector<16xf32>
      %mul3A_90 = arith.mulf %gather3A_87, %gather3A_87 : vector<16xf32>
      %add3A_91 = arith.addf %add3A_81, %mul3A_90 : vector<16xf32>
      %mul3A_92 = arith.mulf %gather3A_86, %gather3A_87 : vector<16xf32>
      %add3A_93 = arith.addf %add3A_83, %mul3A_92 : vector<16xf32>
      %broadcast_in_dim3A_94 = arith.constant 7 : i32
      %broadcast_in_dim3A_95 = vector.broadcast %broadcast_in_dim3A_94 : i32 to vector<16xi32>
      %gather3A_96 = tpu.vector_load_idx %arg7[%add3A_22, %broadcast_in_dim3A_95] : memref<512x64xf32, #tpu.memory_space<vmem>>[vector<16xi32>, vector<16xi32>], vector<16xf32>,
      %gather3A_97 = tpu.vector_load_idx %arg8[%add3A_22, %broadcast_in_dim3A_95] : memref<512x64xf32, #tpu.memory_space<vmem>>[vector<16xi32>, vector<16xi32>], vector<16xf32>,
      %mul3A_98 = arith.mulf %gather3A_96, %gather3A_96 : vector<16xf32>
      %add3A_99 = arith.addf %add3A_89, %mul3A_98 : vector<16xf32>
      %mul3A_100 = arith.mulf %gather3A_97, %gather3A_97 : vector<16xf32>
      %add3A_101 = arith.addf %add3A_91, %mul3A_100 : vector<16xf32>
      %mul3A_102 = arith.mulf %gather3A_96, %gather3A_97 : vector<16xf32>
      %add3A_103 = arith.addf %add3A_93, %mul3A_102 : vector<16xf32>
      %broadcast_in_dim3A_104 = arith.constant 8 : i32
      %broadcast_in_dim3A_105 = vector.broadcast %broadcast_in_dim3A_104 : i32 to vector<16xi32>
      %gather3A_106 = tpu.vector_load_idx %arg7[%add3A_22, %broadcast_in_dim3A_105] : memref<512x64xf32, #tpu.memory_space<vmem>>[vector<16xi32>, vector<16xi32>], vector<16xf32>,
      %gather3A_107 = tpu.vector_load_idx %arg8[%add3A_22, %broadcast_in_dim3A_105] : memref<512x64xf32, #tpu.memory_space<vmem>>[vector<16xi32>, vector<16xi32>], vector<16xf32>,
      %mul3A_108 = arith.mulf %gather3A_106, %gather3A_106 : vector<16xf32>
      %add3A_109 = arith.addf %add3A_99, %mul3A_108 : vector<16xf32>
      %mul3A_110 = arith.mulf %gather3A_107, %gather3A_107 : vector<16xf32>
      %add3A_111 = arith.addf %add3A_101, %mul3A_110 : vector<16xf32>
      %mul3A_112 = arith.mulf %gather3A_106, %gather3A_107 : vector<16xf32>
      %add3A_113 = arith.addf %add3A_103, %mul3A_112 : vector<16xf32>
      %broadcast_in_dim3A_114 = arith.constant 9 : i32
      %broadcast_in_dim3A_115 = vector.broadcast %broadcast_in_dim3A_114 : i32 to vector<16xi32>
      %gather3A_116 = tpu.vector_load_idx %arg7[%add3A_22, %broadcast_in_dim3A_115] : memref<512x64xf32, #tpu.memory_space<vmem>>[vector<16xi32>, vector<16xi32>], vector<16xf32>,
      %gather3A_117 = tpu.vector_load_idx %arg8[%add3A_22, %broadcast_in_dim3A_115] : memref<512x64xf32, #tpu.memory_space<vmem>>[vector<16xi32>, vector<16xi32>], vector<16xf32>,
      %mul3A_118 = arith.mulf %gather3A_116, %gather3A_116 : vector<16xf32>
      %add3A_119 = arith.addf %add3A_109, %mul3A_118 : vector<16xf32>
      %mul3A_120 = arith.mulf %gather3A_117, %gather3A_117 : vector<16xf32>
      %add3A_121 = arith.addf %add3A_111, %mul3A_120 : vector<16xf32>
      %mul3A_122 = arith.mulf %gather3A_116, %gather3A_117 : vector<16xf32>
      %add3A_123 = arith.addf %add3A_113, %mul3A_122 : vector<16xf32>
      %broadcast_in_dim3A_124 = arith.constant 10 : i32
      %broadcast_in_dim3A_125 = vector.broadcast %broadcast_in_dim3A_124 : i32 to vector<16xi32>
      %gather3A_126 = tpu.vector_load_idx %arg7[%add3A_22, %broadcast_in_dim3A_125] : memref<512x64xf32, #tpu.memory_space<vmem>>[vector<16xi32>, vector<16xi32>], vector<16xf32>,
      %gather3A_127 = tpu.vector_load_idx %arg8[%add3A_22, %broadcast_in_dim3A_125] : memref<512x64xf32, #tpu.memory_space<vmem>>[vector<16xi32>, vector<16xi32>], vector<16xf32>,
      %mul3A_128 = arith.mulf %gather3A_126, %gather3A_126 : vector<16xf32>
      %add3A_129 = arith.addf %add3A_119, %mul3A_128 : vector<16xf32>
      %mul3A_130 = arith.mulf %gather3A_127, %gather3A_127 : vector<16xf32>
      %add3A_131 = arith.addf %add3A_121, %mul3A_130 : vector<16xf32>
      %mul3A_132 = arith.mulf %gather3A_126, %gather3A_127 : vector<16xf32>
      %add3A_133 = arith.addf %add3A_123, %mul3A_132 : vector<16xf32>
      %broadcast_in_dim3A_134 = arith.constant 11 : i32
      %broadcast_in_dim3A_135 = vector.broadcast %broadcast_in_dim3A_134 : i32 to vector<16xi32>
      %gather3A_136 = tpu.vector_load_idx %arg7[%add3A_22, %broadcast_in_dim3A_135] : memref<512x64xf32, #tpu.memory_space<vmem>>[vector<16xi32>, vector<16xi32>], vector<16xf32>,
      %gather3A_137 = tpu.vector_load_idx %arg8[%add3A_22, %broadcast_in_dim3A_135] : memref<512x64xf32, #tpu.memory_space<vmem>>[vector<16xi32>, vector<16xi32>], vector<16xf32>,
      %mul3A_138 = arith.mulf %gather3A_136, %gather3A_136 : vector<16xf32>
      %add3A_139 = arith.addf %add3A_129, %mul3A_138 : vector<16xf32>
      %mul3A_140 = arith.mulf %gather3A_137, %gather3A_137 : vector<16xf32>
      %add3A_141 = arith.addf %add3A_131, %mul3A_140 : vector<16xf32>
      %mul3A_142 = arith.mulf %gather3A_136, %gather3A_137 : vector<16xf32>
      %add3A_143 = arith.addf %add3A_133, %mul3A_142 : vector<16xf32>
      %broadcast_in_dim3A_144 = arith.constant 12 : i32
      %broadcast_in_dim3A_145 = vector.broadcast %broadcast_in_dim3A_144 : i32 to vector<16xi32>
      %gather3A_146 = tpu.vector_load_idx %arg7[%add3A_22, %broadcast_in_dim3A_145] : memref<512x64xf32, #tpu.memory_space<vmem>>[vector<16xi32>, vector<16xi32>], vector<16xf32>,
      %gather3A_147 = tpu.vector_load_idx %arg8[%add3A_22, %broadcast_in_dim3A_145] : memref<512x64xf32, #tpu.memory_space<vmem>>[vector<16xi32>, vector<16xi32>], vector<16xf32>,
      %mul3A_148 = arith.mulf %gather3A_146, %gather3A_146 : vector<16xf32>
      %add3A_149 = arith.addf %add3A_139, %mul3A_148 : vector<16xf32>
      %mul3A_150 = arith.mulf %gather3A_147, %gather3A_147 : vector<16xf32>
      %add3A_151 = arith.addf %add3A_141, %mul3A_150 : vector<16xf32>
      %mul3A_152 = arith.mulf %gather3A_146, %gather3A_147 : vector<16xf32>
      %add3A_153 = arith.addf %add3A_143, %mul3A_152 : vector<16xf32>
      %broadcast_in_dim3A_154 = arith.constant 13 : i32
      %broadcast_in_dim3A_155 = vector.broadcast %broadcast_in_dim3A_154 : i32 to vector<16xi32>
      %gather3A_156 = tpu.vector_load_idx %arg7[%add3A_22, %broadcast_in_dim3A_155] : memref<512x64xf32, #tpu.memory_space<vmem>>[vector<16xi32>, vector<16xi32>], vector<16xf32>,
      %gather3A_157 = tpu.vector_load_idx %arg8[%add3A_22, %broadcast_in_dim3A_155] : memref<512x64xf32, #tpu.memory_space<vmem>>[vector<16xi32>, vector<16xi32>], vector<16xf32>,
      %mul3A_158 = arith.mulf %gather3A_156, %gather3A_156 : vector<16xf32>
      %add3A_159 = arith.addf %add3A_149, %mul3A_158 : vector<16xf32>
      %mul3A_160 = arith.mulf %gather3A_157, %gather3A_157 : vector<16xf32>
      %add3A_161 = arith.addf %add3A_151, %mul3A_160 : vector<16xf32>
      %mul3A_162 = arith.mulf %gather3A_156, %gather3A_157 : vector<16xf32>
      %add3A_163 = arith.addf %add3A_153, %mul3A_162 : vector<16xf32>
      %broadcast_in_dim3A_164 = arith.constant 14 : i32
      %broadcast_in_dim3A_165 = vector.broadcast %broadcast_in_dim3A_164 : i32 to vector<16xi32>
      %gather3A_166 = tpu.vector_load_idx %arg7[%add3A_22, %broadcast_in_dim3A_165] : memref<512x64xf32, #tpu.memory_space<vmem>>[vector<16xi32>, vector<16xi32>], vector<16xf32>,
      %gather3A_167 = tpu.vector_load_idx %arg8[%add3A_22, %broadcast_in_dim3A_165] : memref<512x64xf32, #tpu.memory_space<vmem>>[vector<16xi32>, vector<16xi32>], vector<16xf32>,
      %mul3A_168 = arith.mulf %gather3A_166, %gather3A_166 : vector<16xf32>
      %add3A_169 = arith.addf %add3A_159, %mul3A_168 : vector<16xf32>
      %mul3A_170 = arith.mulf %gather3A_167, %gather3A_167 : vector<16xf32>
      %add3A_171 = arith.addf %add3A_161, %mul3A_170 : vector<16xf32>
      %mul3A_172 = arith.mulf %gather3A_166, %gather3A_167 : vector<16xf32>
      %add3A_173 = arith.addf %add3A_163, %mul3A_172 : vector<16xf32>
      %broadcast_in_dim3A_174 = arith.constant 15 : i32
      %broadcast_in_dim3A_175 = vector.broadcast %broadcast_in_dim3A_174 : i32 to vector<16xi32>
      %gather3A_176 = tpu.vector_load_idx %arg7[%add3A_22, %broadcast_in_dim3A_175] : memref<512x64xf32, #tpu.memory_space<vmem>>[vector<16xi32>, vector<16xi32>], vector<16xf32>,
      %gather3A_177 = tpu.vector_load_idx %arg8[%add3A_22, %broadcast_in_dim3A_175] : memref<512x64xf32, #tpu.memory_space<vmem>>[vector<16xi32>, vector<16xi32>], vector<16xf32>,
      %mul3A_178 = arith.mulf %gather3A_176, %gather3A_176 : vector<16xf32>
      %add3A_179 = arith.addf %add3A_169, %mul3A_178 : vector<16xf32>
      %mul3A_180 = arith.mulf %gather3A_177, %gather3A_177 : vector<16xf32>
      %add3A_181 = arith.addf %add3A_171, %mul3A_180 : vector<16xf32>
      %mul3A_182 = arith.mulf %gather3A_176, %gather3A_177 : vector<16xf32>
      %add3A_183 = arith.addf %add3A_173, %mul3A_182 : vector<16xf32>
      %broadcast_in_dim3A_184 = arith.constant 16 : i32
      %broadcast_in_dim3A_185 = vector.broadcast %broadcast_in_dim3A_184 : i32 to vector<16xi32>
      %gather3A_186 = tpu.vector_load_idx %arg7[%add3A_22, %broadcast_in_dim3A_185] : memref<512x64xf32, #tpu.memory_space<vmem>>[vector<16xi32>, vector<16xi32>], vector<16xf32>,
      %gather3A_187 = tpu.vector_load_idx %arg8[%add3A_22, %broadcast_in_dim3A_185] : memref<512x64xf32, #tpu.memory_space<vmem>>[vector<16xi32>, vector<16xi32>], vector<16xf32>,
      %mul3A_188 = arith.mulf %gather3A_186, %gather3A_186 : vector<16xf32>
      %add3A_189 = arith.addf %add3A_179, %mul3A_188 : vector<16xf32>
      %mul3A_190 = arith.mulf %gather3A_187, %gather3A_187 : vector<16xf32>
      %add3A_191 = arith.addf %add3A_181, %mul3A_190 : vector<16xf32>
      %mul3A_192 = arith.mulf %gather3A_186, %gather3A_187 : vector<16xf32>
      %add3A_193 = arith.addf %add3A_183, %mul3A_192 : vector<16xf32>
      %broadcast_in_dim3A_194 = arith.constant 17 : i32
      %broadcast_in_dim3A_195 = vector.broadcast %broadcast_in_dim3A_194 : i32 to vector<16xi32>
      %gather3A_196 = tpu.vector_load_idx %arg7[%add3A_22, %broadcast_in_dim3A_195] : memref<512x64xf32, #tpu.memory_space<vmem>>[vector<16xi32>, vector<16xi32>], vector<16xf32>,
      %gather3A_197 = tpu.vector_load_idx %arg8[%add3A_22, %broadcast_in_dim3A_195] : memref<512x64xf32, #tpu.memory_space<vmem>>[vector<16xi32>, vector<16xi32>], vector<16xf32>,
      %mul3A_198 = arith.mulf %gather3A_196, %gather3A_196 : vector<16xf32>
      %add3A_199 = arith.addf %add3A_189, %mul3A_198 : vector<16xf32>
      %mul3A_200 = arith.mulf %gather3A_197, %gather3A_197 : vector<16xf32>
      %add3A_201 = arith.addf %add3A_191, %mul3A_200 : vector<16xf32>
      %mul3A_202 = arith.mulf %gather3A_196, %gather3A_197 : vector<16xf32>
      %add3A_203 = arith.addf %add3A_193, %mul3A_202 : vector<16xf32>
      %broadcast_in_dim3A_204 = arith.constant 18 : i32
      %broadcast_in_dim3A_205 = vector.broadcast %broadcast_in_dim3A_204 : i32 to vector<16xi32>
      %gather3A_206 = tpu.vector_load_idx %arg7[%add3A_22, %broadcast_in_dim3A_205] : memref<512x64xf32, #tpu.memory_space<vmem>>[vector<16xi32>, vector<16xi32>], vector<16xf32>,
      %gather3A_207 = tpu.vector_load_idx %arg8[%add3A_22, %broadcast_in_dim3A_205] : memref<512x64xf32, #tpu.memory_space<vmem>>[vector<16xi32>, vector<16xi32>], vector<16xf32>,
      %mul3A_208 = arith.mulf %gather3A_206, %gather3A_206 : vector<16xf32>
      %add3A_209 = arith.addf %add3A_199, %mul3A_208 : vector<16xf32>
      %mul3A_210 = arith.mulf %gather3A_207, %gather3A_207 : vector<16xf32>
      %add3A_211 = arith.addf %add3A_201, %mul3A_210 : vector<16xf32>
      %mul3A_212 = arith.mulf %gather3A_206, %gather3A_207 : vector<16xf32>
      %add3A_213 = arith.addf %add3A_203, %mul3A_212 : vector<16xf32>
      %broadcast_in_dim3A_214 = arith.constant 19 : i32
      %broadcast_in_dim3A_215 = vector.broadcast %broadcast_in_dim3A_214 : i32 to vector<16xi32>
      %gather3A_216 = tpu.vector_load_idx %arg7[%add3A_22, %broadcast_in_dim3A_215] : memref<512x64xf32, #tpu.memory_space<vmem>>[vector<16xi32>, vector<16xi32>], vector<16xf32>,
      %gather3A_217 = tpu.vector_load_idx %arg8[%add3A_22, %broadcast_in_dim3A_215] : memref<512x64xf32, #tpu.memory_space<vmem>>[vector<16xi32>, vector<16xi32>], vector<16xf32>,
      %mul3A_218 = arith.mulf %gather3A_216, %gather3A_216 : vector<16xf32>
      %add3A_219 = arith.addf %add3A_209, %mul3A_218 : vector<16xf32>
      %mul3A_220 = arith.mulf %gather3A_217, %gather3A_217 : vector<16xf32>
      %add3A_221 = arith.addf %add3A_211, %mul3A_220 : vector<16xf32>
      %mul3A_222 = arith.mulf %gather3A_216, %gather3A_217 : vector<16xf32>
      %add3A_223 = arith.addf %add3A_213, %mul3A_222 : vector<16xf32>
      %broadcast_in_dim3A_224 = arith.constant 20 : i32
      %broadcast_in_dim3A_225 = vector.broadcast %broadcast_in_dim3A_224 : i32 to vector<16xi32>
      %gather3A_226 = tpu.vector_load_idx %arg7[%add3A_22, %broadcast_in_dim3A_225] : memref<512x64xf32, #tpu.memory_space<vmem>>[vector<16xi32>, vector<16xi32>], vector<16xf32>,
      %gather3A_227 = tpu.vector_load_idx %arg8[%add3A_22, %broadcast_in_dim3A_225] : memref<512x64xf32, #tpu.memory_space<vmem>>[vector<16xi32>, vector<16xi32>], vector<16xf32>,
      %mul3A_228 = arith.mulf %gather3A_226, %gather3A_226 : vector<16xf32>
      %add3A_229 = arith.addf %add3A_219, %mul3A_228 : vector<16xf32>
      %mul3A_230 = arith.mulf %gather3A_227, %gather3A_227 : vector<16xf32>
      %add3A_231 = arith.addf %add3A_221, %mul3A_230 : vector<16xf32>
      %mul3A_232 = arith.mulf %gather3A_226, %gather3A_227 : vector<16xf32>
      %add3A_233 = arith.addf %add3A_223, %mul3A_232 : vector<16xf32>
      %broadcast_in_dim3A_234 = arith.constant 21 : i32
      %broadcast_in_dim3A_235 = vector.broadcast %broadcast_in_dim3A_234 : i32 to vector<16xi32>
      %gather3A_236 = tpu.vector_load_idx %arg7[%add3A_22, %broadcast_in_dim3A_235] : memref<512x64xf32, #tpu.memory_space<vmem>>[vector<16xi32>, vector<16xi32>], vector<16xf32>,
      %gather3A_237 = tpu.vector_load_idx %arg8[%add3A_22, %broadcast_in_dim3A_235] : memref<512x64xf32, #tpu.memory_space<vmem>>[vector<16xi32>, vector<16xi32>], vector<16xf32>,
      %mul3A_238 = arith.mulf %gather3A_236, %gather3A_236 : vector<16xf32>
      %add3A_239 = arith.addf %add3A_229, %mul3A_238 : vector<16xf32>
      %mul3A_240 = arith.mulf %gather3A_237, %gather3A_237 : vector<16xf32>
      %add3A_241 = arith.addf %add3A_231, %mul3A_240 : vector<16xf32>
      %mul3A_242 = arith.mulf %gather3A_236, %gather3A_237 : vector<16xf32>
      %add3A_243 = arith.addf %add3A_233, %mul3A_242 : vector<16xf32>
      %broadcast_in_dim3A_244 = arith.constant 22 : i32
      %broadcast_in_dim3A_245 = vector.broadcast %broadcast_in_dim3A_244 : i32 to vector<16xi32>
      %gather3A_246 = tpu.vector_load_idx %arg7[%add3A_22, %broadcast_in_dim3A_245] : memref<512x64xf32, #tpu.memory_space<vmem>>[vector<16xi32>, vector<16xi32>], vector<16xf32>,
      %gather3A_247 = tpu.vector_load_idx %arg8[%add3A_22, %broadcast_in_dim3A_245] : memref<512x64xf32, #tpu.memory_space<vmem>>[vector<16xi32>, vector<16xi32>], vector<16xf32>,
      %mul3A_248 = arith.mulf %gather3A_246, %gather3A_246 : vector<16xf32>
      %add3A_249 = arith.addf %add3A_239, %mul3A_248 : vector<16xf32>
      %mul3A_250 = arith.mulf %gather3A_247, %gather3A_247 : vector<16xf32>
      %add3A_251 = arith.addf %add3A_241, %mul3A_250 : vector<16xf32>
      %mul3A_252 = arith.mulf %gather3A_246, %gather3A_247 : vector<16xf32>
      %add3A_253 = arith.addf %add3A_243, %mul3A_252 : vector<16xf32>
      %broadcast_in_dim3A_254 = arith.constant 23 : i32
      %broadcast_in_dim3A_255 = vector.broadcast %broadcast_in_dim3A_254 : i32 to vector<16xi32>
      %gather3A_256 = tpu.vector_load_idx %arg7[%add3A_22, %broadcast_in_dim3A_255] : memref<512x64xf32, #tpu.memory_space<vmem>>[vector<16xi32>, vector<16xi32>], vector<16xf32>,
      %gather3A_257 = tpu.vector_load_idx %arg8[%add3A_22, %broadcast_in_dim3A_255] : memref<512x64xf32, #tpu.memory_space<vmem>>[vector<16xi32>, vector<16xi32>], vector<16xf32>,
      %mul3A_258 = arith.mulf %gather3A_256, %gather3A_256 : vector<16xf32>
      %add3A_259 = arith.addf %add3A_249, %mul3A_258 : vector<16xf32>
      %mul3A_260 = arith.mulf %gather3A_257, %gather3A_257 : vector<16xf32>
      %add3A_261 = arith.addf %add3A_251, %mul3A_260 : vector<16xf32>
      %mul3A_262 = arith.mulf %gather3A_256, %gather3A_257 : vector<16xf32>
      %add3A_263 = arith.addf %add3A_253, %mul3A_262 : vector<16xf32>
      %broadcast_in_dim3A_264 = arith.constant 24 : i32
      %broadcast_in_dim3A_265 = vector.broadcast %broadcast_in_dim3A_264 : i32 to vector<16xi32>
      %gather3A_266 = tpu.vector_load_idx %arg7[%add3A_22, %broadcast_in_dim3A_265] : memref<512x64xf32, #tpu.memory_space<vmem>>[vector<16xi32>, vector<16xi32>], vector<16xf32>,
      %gather3A_267 = tpu.vector_load_idx %arg8[%add3A_22, %broadcast_in_dim3A_265] : memref<512x64xf32, #tpu.memory_space<vmem>>[vector<16xi32>, vector<16xi32>], vector<16xf32>,
      %mul3A_268 = arith.mulf %gather3A_266, %gather3A_266 : vector<16xf32>
      %add3A_269 = arith.addf %add3A_259, %mul3A_268 : vector<16xf32>
      %mul3A_270 = arith.mulf %gather3A_267, %gather3A_267 : vector<16xf32>
      %add3A_271 = arith.addf %add3A_261, %mul3A_270 : vector<16xf32>
      %mul3A_272 = arith.mulf %gather3A_266, %gather3A_267 : vector<16xf32>
      %add3A_273 = arith.addf %add3A_263, %mul3A_272 : vector<16xf32>
      %broadcast_in_dim3A_274 = arith.constant 25 : i32
      %broadcast_in_dim3A_275 = vector.broadcast %broadcast_in_dim3A_274 : i32 to vector<16xi32>
      %gather3A_276 = tpu.vector_load_idx %arg7[%add3A_22, %broadcast_in_dim3A_275] : memref<512x64xf32, #tpu.memory_space<vmem>>[vector<16xi32>, vector<16xi32>], vector<16xf32>,
      %gather3A_277 = tpu.vector_load_idx %arg8[%add3A_22, %broadcast_in_dim3A_275] : memref<512x64xf32, #tpu.memory_space<vmem>>[vector<16xi32>, vector<16xi32>], vector<16xf32>,
      %mul3A_278 = arith.mulf %gather3A_276, %gather3A_276 : vector<16xf32>
      %add3A_279 = arith.addf %add3A_269, %mul3A_278 : vector<16xf32>
      %mul3A_280 = arith.mulf %gather3A_277, %gather3A_277 : vector<16xf32>
      %add3A_281 = arith.addf %add3A_271, %mul3A_280 : vector<16xf32>
      %mul3A_282 = arith.mulf %gather3A_276, %gather3A_277 : vector<16xf32>
      %add3A_283 = arith.addf %add3A_273, %mul3A_282 : vector<16xf32>
      %broadcast_in_dim3A_284 = arith.constant 26 : i32
      %broadcast_in_dim3A_285 = vector.broadcast %broadcast_in_dim3A_284 : i32 to vector<16xi32>
      %gather3A_286 = tpu.vector_load_idx %arg7[%add3A_22, %broadcast_in_dim3A_285] : memref<512x64xf32, #tpu.memory_space<vmem>>[vector<16xi32>, vector<16xi32>], vector<16xf32>,
      %gather3A_287 = tpu.vector_load_idx %arg8[%add3A_22, %broadcast_in_dim3A_285] : memref<512x64xf32, #tpu.memory_space<vmem>>[vector<16xi32>, vector<16xi32>], vector<16xf32>,
      %mul3A_288 = arith.mulf %gather3A_286, %gather3A_286 : vector<16xf32>
      %add3A_289 = arith.addf %add3A_279, %mul3A_288 : vector<16xf32>
      %mul3A_290 = arith.mulf %gather3A_287, %gather3A_287 : vector<16xf32>
      %add3A_291 = arith.addf %add3A_281, %mul3A_290 : vector<16xf32>
      %mul3A_292 = arith.mulf %gather3A_286, %gather3A_287 : vector<16xf32>
      %add3A_293 = arith.addf %add3A_283, %mul3A_292 : vector<16xf32>
      %broadcast_in_dim3A_294 = arith.constant 27 : i32
      %broadcast_in_dim3A_295 = vector.broadcast %broadcast_in_dim3A_294 : i32 to vector<16xi32>
      %gather3A_296 = tpu.vector_load_idx %arg7[%add3A_22, %broadcast_in_dim3A_295] : memref<512x64xf32, #tpu.memory_space<vmem>>[vector<16xi32>, vector<16xi32>], vector<16xf32>,
      %gather3A_297 = tpu.vector_load_idx %arg8[%add3A_22, %broadcast_in_dim3A_295] : memref<512x64xf32, #tpu.memory_space<vmem>>[vector<16xi32>, vector<16xi32>], vector<16xf32>,
      %mul3A_298 = arith.mulf %gather3A_296, %gather3A_296 : vector<16xf32>
      %add3A_299 = arith.addf %add3A_289, %mul3A_298 : vector<16xf32>
      %mul3A_300 = arith.mulf %gather3A_297, %gather3A_297 : vector<16xf32>
      %add3A_301 = arith.addf %add3A_291, %mul3A_300 : vector<16xf32>
      %mul3A_302 = arith.mulf %gather3A_296, %gather3A_297 : vector<16xf32>
      %add3A_303 = arith.addf %add3A_293, %mul3A_302 : vector<16xf32>
      %broadcast_in_dim3A_304 = arith.constant 28 : i32
      %broadcast_in_dim3A_305 = vector.broadcast %broadcast_in_dim3A_304 : i32 to vector<16xi32>
      %gather3A_306 = tpu.vector_load_idx %arg7[%add3A_22, %broadcast_in_dim3A_305] : memref<512x64xf32, #tpu.memory_space<vmem>>[vector<16xi32>, vector<16xi32>], vector<16xf32>,
      %gather3A_307 = tpu.vector_load_idx %arg8[%add3A_22, %broadcast_in_dim3A_305] : memref<512x64xf32, #tpu.memory_space<vmem>>[vector<16xi32>, vector<16xi32>], vector<16xf32>,
      %mul3A_308 = arith.mulf %gather3A_306, %gather3A_306 : vector<16xf32>
      %add3A_309 = arith.addf %add3A_299, %mul3A_308 : vector<16xf32>
      %mul3A_310 = arith.mulf %gather3A_307, %gather3A_307 : vector<16xf32>
      %add3A_311 = arith.addf %add3A_301, %mul3A_310 : vector<16xf32>
      %mul3A_312 = arith.mulf %gather3A_306, %gather3A_307 : vector<16xf32>
      %add3A_313 = arith.addf %add3A_303, %mul3A_312 : vector<16xf32>
      %broadcast_in_dim3A_314 = arith.constant 29 : i32
      %broadcast_in_dim3A_315 = vector.broadcast %broadcast_in_dim3A_314 : i32 to vector<16xi32>
      %gather3A_316 = tpu.vector_load_idx %arg7[%add3A_22, %broadcast_in_dim3A_315] : memref<512x64xf32, #tpu.memory_space<vmem>>[vector<16xi32>, vector<16xi32>], vector<16xf32>,
      %gather3A_317 = tpu.vector_load_idx %arg8[%add3A_22, %broadcast_in_dim3A_315] : memref<512x64xf32, #tpu.memory_space<vmem>>[vector<16xi32>, vector<16xi32>], vector<16xf32>,
      %mul3A_318 = arith.mulf %gather3A_316, %gather3A_316 : vector<16xf32>
      %add3A_319 = arith.addf %add3A_309, %mul3A_318 : vector<16xf32>
      %mul3A_320 = arith.mulf %gather3A_317, %gather3A_317 : vector<16xf32>
      %add3A_321 = arith.addf %add3A_311, %mul3A_320 : vector<16xf32>
      %mul3A_322 = arith.mulf %gather3A_316, %gather3A_317 : vector<16xf32>
      %add3A_323 = arith.addf %add3A_313, %mul3A_322 : vector<16xf32>
      %broadcast_in_dim3A_324 = arith.constant 30 : i32
      %broadcast_in_dim3A_325 = vector.broadcast %broadcast_in_dim3A_324 : i32 to vector<16xi32>
      %gather3A_326 = tpu.vector_load_idx %arg7[%add3A_22, %broadcast_in_dim3A_325] : memref<512x64xf32, #tpu.memory_space<vmem>>[vector<16xi32>, vector<16xi32>], vector<16xf32>,
      %gather3A_327 = tpu.vector_load_idx %arg8[%add3A_22, %broadcast_in_dim3A_325] : memref<512x64xf32, #tpu.memory_space<vmem>>[vector<16xi32>, vector<16xi32>], vector<16xf32>,
      %mul3A_328 = arith.mulf %gather3A_326, %gather3A_326 : vector<16xf32>
      %add3A_329 = arith.addf %add3A_319, %mul3A_328 : vector<16xf32>
      %mul3A_330 = arith.mulf %gather3A_327, %gather3A_327 : vector<16xf32>
      %add3A_331 = arith.addf %add3A_321, %mul3A_330 : vector<16xf32>
      %mul3A_332 = arith.mulf %gather3A_326, %gather3A_327 : vector<16xf32>
      %add3A_333 = arith.addf %add3A_323, %mul3A_332 : vector<16xf32>
      %broadcast_in_dim3A_334 = arith.constant 31 : i32
      %broadcast_in_dim3A_335 = vector.broadcast %broadcast_in_dim3A_334 : i32 to vector<16xi32>
      %gather3A_336 = tpu.vector_load_idx %arg7[%add3A_22, %broadcast_in_dim3A_335] : memref<512x64xf32, #tpu.memory_space<vmem>>[vector<16xi32>, vector<16xi32>], vector<16xf32>,
      %gather3A_337 = tpu.vector_load_idx %arg8[%add3A_22, %broadcast_in_dim3A_335] : memref<512x64xf32, #tpu.memory_space<vmem>>[vector<16xi32>, vector<16xi32>], vector<16xf32>,
      %mul3A_338 = arith.mulf %gather3A_336, %gather3A_336 : vector<16xf32>
      %add3A_339 = arith.addf %add3A_329, %mul3A_338 : vector<16xf32>
      %mul3A_340 = arith.mulf %gather3A_337, %gather3A_337 : vector<16xf32>
      %add3A_341 = arith.addf %add3A_331, %mul3A_340 : vector<16xf32>
      %mul3A_342 = arith.mulf %gather3A_336, %gather3A_337 : vector<16xf32>
      %add3A_343 = arith.addf %add3A_333, %mul3A_342 : vector<16xf32>
      %broadcast_in_dim3A_344 = arith.constant 32 : i32
      %broadcast_in_dim3A_345 = vector.broadcast %broadcast_in_dim3A_344 : i32 to vector<16xi32>
      %gather3A_346 = tpu.vector_load_idx %arg7[%add3A_22, %broadcast_in_dim3A_345] : memref<512x64xf32, #tpu.memory_space<vmem>>[vector<16xi32>, vector<16xi32>], vector<16xf32>,
      %gather3A_347 = tpu.vector_load_idx %arg8[%add3A_22, %broadcast_in_dim3A_345] : memref<512x64xf32, #tpu.memory_space<vmem>>[vector<16xi32>, vector<16xi32>], vector<16xf32>,
      %mul3A_348 = arith.mulf %gather3A_346, %gather3A_346 : vector<16xf32>
      %add3A_349 = arith.addf %add3A_339, %mul3A_348 : vector<16xf32>
      %mul3A_350 = arith.mulf %gather3A_347, %gather3A_347 : vector<16xf32>
      %add3A_351 = arith.addf %add3A_341, %mul3A_350 : vector<16xf32>
      %mul3A_352 = arith.mulf %gather3A_346, %gather3A_347 : vector<16xf32>
      %add3A_353 = arith.addf %add3A_343, %mul3A_352 : vector<16xf32>
      %broadcast_in_dim3A_354 = arith.constant 33 : i32
      %broadcast_in_dim3A_355 = vector.broadcast %broadcast_in_dim3A_354 : i32 to vector<16xi32>
      %gather3A_356 = tpu.vector_load_idx %arg7[%add3A_22, %broadcast_in_dim3A_355] : memref<512x64xf32, #tpu.memory_space<vmem>>[vector<16xi32>, vector<16xi32>], vector<16xf32>,
      %gather3A_357 = tpu.vector_load_idx %arg8[%add3A_22, %broadcast_in_dim3A_355] : memref<512x64xf32, #tpu.memory_space<vmem>>[vector<16xi32>, vector<16xi32>], vector<16xf32>,
      %mul3A_358 = arith.mulf %gather3A_356, %gather3A_356 : vector<16xf32>
      %add3A_359 = arith.addf %add3A_349, %mul3A_358 : vector<16xf32>
      %mul3A_360 = arith.mulf %gather3A_357, %gather3A_357 : vector<16xf32>
      %add3A_361 = arith.addf %add3A_351, %mul3A_360 : vector<16xf32>
      %mul3A_362 = arith.mulf %gather3A_356, %gather3A_357 : vector<16xf32>
      %add3A_363 = arith.addf %add3A_353, %mul3A_362 : vector<16xf32>
      %broadcast_in_dim3A_364 = arith.constant 34 : i32
      %broadcast_in_dim3A_365 = vector.broadcast %broadcast_in_dim3A_364 : i32 to vector<16xi32>
      %gather3A_366 = tpu.vector_load_idx %arg7[%add3A_22, %broadcast_in_dim3A_365] : memref<512x64xf32, #tpu.memory_space<vmem>>[vector<16xi32>, vector<16xi32>], vector<16xf32>,
      %gather3A_367 = tpu.vector_load_idx %arg8[%add3A_22, %broadcast_in_dim3A_365] : memref<512x64xf32, #tpu.memory_space<vmem>>[vector<16xi32>, vector<16xi32>], vector<16xf32>,
      %mul3A_368 = arith.mulf %gather3A_366, %gather3A_366 : vector<16xf32>
      %add3A_369 = arith.addf %add3A_359, %mul3A_368 : vector<16xf32>
      %mul3A_370 = arith.mulf %gather3A_367, %gather3A_367 : vector<16xf32>
      %add3A_371 = arith.addf %add3A_361, %mul3A_370 : vector<16xf32>
      %mul3A_372 = arith.mulf %gather3A_366, %gather3A_367 : vector<16xf32>
      %add3A_373 = arith.addf %add3A_363, %mul3A_372 : vector<16xf32>
      %broadcast_in_dim3A_374 = arith.constant 35 : i32
      %broadcast_in_dim3A_375 = vector.broadcast %broadcast_in_dim3A_374 : i32 to vector<16xi32>
      %gather3A_376 = tpu.vector_load_idx %arg7[%add3A_22, %broadcast_in_dim3A_375] : memref<512x64xf32, #tpu.memory_space<vmem>>[vector<16xi32>, vector<16xi32>], vector<16xf32>,
      %gather3A_377 = tpu.vector_load_idx %arg8[%add3A_22, %broadcast_in_dim3A_375] : memref<512x64xf32, #tpu.memory_space<vmem>>[vector<16xi32>, vector<16xi32>], vector<16xf32>,
      %mul3A_378 = arith.mulf %gather3A_376, %gather3A_376 : vector<16xf32>
      %add3A_379 = arith.addf %add3A_369, %mul3A_378 : vector<16xf32>
      %mul3A_380 = arith.mulf %gather3A_377, %gather3A_377 : vector<16xf32>
      %add3A_381 = arith.addf %add3A_371, %mul3A_380 : vector<16xf32>
      %mul3A_382 = arith.mulf %gather3A_376, %gather3A_377 : vector<16xf32>
      %add3A_383 = arith.addf %add3A_373, %mul3A_382 : vector<16xf32>
      %broadcast_in_dim3A_384 = arith.constant 36 : i32
      %broadcast_in_dim3A_385 = vector.broadcast %broadcast_in_dim3A_384 : i32 to vector<16xi32>
      %gather3A_386 = tpu.vector_load_idx %arg7[%add3A_22, %broadcast_in_dim3A_385] : memref<512x64xf32, #tpu.memory_space<vmem>>[vector<16xi32>, vector<16xi32>], vector<16xf32>,
      %gather3A_387 = tpu.vector_load_idx %arg8[%add3A_22, %broadcast_in_dim3A_385] : memref<512x64xf32, #tpu.memory_space<vmem>>[vector<16xi32>, vector<16xi32>], vector<16xf32>,
      %mul3A_388 = arith.mulf %gather3A_386, %gather3A_386 : vector<16xf32>
      %add3A_389 = arith.addf %add3A_379, %mul3A_388 : vector<16xf32>
      %mul3A_390 = arith.mulf %gather3A_387, %gather3A_387 : vector<16xf32>
      %add3A_391 = arith.addf %add3A_381, %mul3A_390 : vector<16xf32>
      %mul3A_392 = arith.mulf %gather3A_386, %gather3A_387 : vector<16xf32>
      %add3A_393 = arith.addf %add3A_383, %mul3A_392 : vector<16xf32>
      %broadcast_in_dim3A_394 = arith.constant 37 : i32
      %broadcast_in_dim3A_395 = vector.broadcast %broadcast_in_dim3A_394 : i32 to vector<16xi32>
      %gather3A_396 = tpu.vector_load_idx %arg7[%add3A_22, %broadcast_in_dim3A_395] : memref<512x64xf32, #tpu.memory_space<vmem>>[vector<16xi32>, vector<16xi32>], vector<16xf32>,
      %gather3A_397 = tpu.vector_load_idx %arg8[%add3A_22, %broadcast_in_dim3A_395] : memref<512x64xf32, #tpu.memory_space<vmem>>[vector<16xi32>, vector<16xi32>], vector<16xf32>,
      %mul3A_398 = arith.mulf %gather3A_396, %gather3A_396 : vector<16xf32>
      %add3A_399 = arith.addf %add3A_389, %mul3A_398 : vector<16xf32>
      %mul3A_400 = arith.mulf %gather3A_397, %gather3A_397 : vector<16xf32>
      %add3A_401 = arith.addf %add3A_391, %mul3A_400 : vector<16xf32>
      %mul3A_402 = arith.mulf %gather3A_396, %gather3A_397 : vector<16xf32>
      %add3A_403 = arith.addf %add3A_393, %mul3A_402 : vector<16xf32>
      %broadcast_in_dim3A_404 = arith.constant 38 : i32
      %broadcast_in_dim3A_405 = vector.broadcast %broadcast_in_dim3A_404 : i32 to vector<16xi32>
      %gather3A_406 = tpu.vector_load_idx %arg7[%add3A_22, %broadcast_in_dim3A_405] : memref<512x64xf32, #tpu.memory_space<vmem>>[vector<16xi32>, vector<16xi32>], vector<16xf32>,
      %gather3A_407 = tpu.vector_load_idx %arg8[%add3A_22, %broadcast_in_dim3A_405] : memref<512x64xf32, #tpu.memory_space<vmem>>[vector<16xi32>, vector<16xi32>], vector<16xf32>,
      %mul3A_408 = arith.mulf %gather3A_406, %gather3A_406 : vector<16xf32>
      %add3A_409 = arith.addf %add3A_399, %mul3A_408 : vector<16xf32>
      %mul3A_410 = arith.mulf %gather3A_407, %gather3A_407 : vector<16xf32>
      %add3A_411 = arith.addf %add3A_401, %mul3A_410 : vector<16xf32>
      %mul3A_412 = arith.mulf %gather3A_406, %gather3A_407 : vector<16xf32>
      %add3A_413 = arith.addf %add3A_403, %mul3A_412 : vector<16xf32>
      %broadcast_in_dim3A_414 = arith.constant 39 : i32
      %broadcast_in_dim3A_415 = vector.broadcast %broadcast_in_dim3A_414 : i32 to vector<16xi32>
      %gather3A_416 = tpu.vector_load_idx %arg7[%add3A_22, %broadcast_in_dim3A_415] : memref<512x64xf32, #tpu.memory_space<vmem>>[vector<16xi32>, vector<16xi32>], vector<16xf32>,
      %gather3A_417 = tpu.vector_load_idx %arg8[%add3A_22, %broadcast_in_dim3A_415] : memref<512x64xf32, #tpu.memory_space<vmem>>[vector<16xi32>, vector<16xi32>], vector<16xf32>,
      %mul3A_418 = arith.mulf %gather3A_416, %gather3A_416 : vector<16xf32>
      %add3A_419 = arith.addf %add3A_409, %mul3A_418 : vector<16xf32>
      %mul3A_420 = arith.mulf %gather3A_417, %gather3A_417 : vector<16xf32>
      %add3A_421 = arith.addf %add3A_411, %mul3A_420 : vector<16xf32>
      %mul3A_422 = arith.mulf %gather3A_416, %gather3A_417 : vector<16xf32>
      %add3A_423 = arith.addf %add3A_413, %mul3A_422 : vector<16xf32>
      %broadcast_in_dim3A_424 = arith.constant 40 : i32
      %broadcast_in_dim3A_425 = vector.broadcast %broadcast_in_dim3A_424 : i32 to vector<16xi32>
      %gather3A_426 = tpu.vector_load_idx %arg7[%add3A_22, %broadcast_in_dim3A_425] : memref<512x64xf32, #tpu.memory_space<vmem>>[vector<16xi32>, vector<16xi32>], vector<16xf32>,
      %gather3A_427 = tpu.vector_load_idx %arg8[%add3A_22, %broadcast_in_dim3A_425] : memref<512x64xf32, #tpu.memory_space<vmem>>[vector<16xi32>, vector<16xi32>], vector<16xf32>,
      %mul3A_428 = arith.mulf %gather3A_426, %gather3A_426 : vector<16xf32>
      %add3A_429 = arith.addf %add3A_419, %mul3A_428 : vector<16xf32>
      %mul3A_430 = arith.mulf %gather3A_427, %gather3A_427 : vector<16xf32>
      %add3A_431 = arith.addf %add3A_421, %mul3A_430 : vector<16xf32>
      %mul3A_432 = arith.mulf %gather3A_426, %gather3A_427 : vector<16xf32>
      %add3A_433 = arith.addf %add3A_423, %mul3A_432 : vector<16xf32>
      %broadcast_in_dim3A_434 = arith.constant 41 : i32
      %broadcast_in_dim3A_435 = vector.broadcast %broadcast_in_dim3A_434 : i32 to vector<16xi32>
      %gather3A_436 = tpu.vector_load_idx %arg7[%add3A_22, %broadcast_in_dim3A_435] : memref<512x64xf32, #tpu.memory_space<vmem>>[vector<16xi32>, vector<16xi32>], vector<16xf32>,
      %gather3A_437 = tpu.vector_load_idx %arg8[%add3A_22, %broadcast_in_dim3A_435] : memref<512x64xf32, #tpu.memory_space<vmem>>[vector<16xi32>, vector<16xi32>], vector<16xf32>,
      %mul3A_438 = arith.mulf %gather3A_436, %gather3A_436 : vector<16xf32>
      %add3A_439 = arith.addf %add3A_429, %mul3A_438 : vector<16xf32>
      %mul3A_440 = arith.mulf %gather3A_437, %gather3A_437 : vector<16xf32>
      %add3A_441 = arith.addf %add3A_431, %mul3A_440 : vector<16xf32>
      %mul3A_442 = arith.mulf %gather3A_436, %gather3A_437 : vector<16xf32>
      %add3A_443 = arith.addf %add3A_433, %mul3A_442 : vector<16xf32>
      %broadcast_in_dim3A_444 = arith.constant 42 : i32
      %broadcast_in_dim3A_445 = vector.broadcast %broadcast_in_dim3A_444 : i32 to vector<16xi32>
      %gather3A_446 = tpu.vector_load_idx %arg7[%add3A_22, %broadcast_in_dim3A_445] : memref<512x64xf32, #tpu.memory_space<vmem>>[vector<16xi32>, vector<16xi32>], vector<16xf32>,
      %gather3A_447 = tpu.vector_load_idx %arg8[%add3A_22, %broadcast_in_dim3A_445] : memref<512x64xf32, #tpu.memory_space<vmem>>[vector<16xi32>, vector<16xi32>], vector<16xf32>,
      %mul3A_448 = arith.mulf %gather3A_446, %gather3A_446 : vector<16xf32>
      %add3A_449 = arith.addf %add3A_439, %mul3A_448 : vector<16xf32>
      %mul3A_450 = arith.mulf %gather3A_447, %gather3A_447 : vector<16xf32>
      %add3A_451 = arith.addf %add3A_441, %mul3A_450 : vector<16xf32>
      %mul3A_452 = arith.mulf %gather3A_446, %gather3A_447 : vector<16xf32>
      %add3A_453 = arith.addf %add3A_443, %mul3A_452 : vector<16xf32>
      %broadcast_in_dim3A_454 = arith.constant 43 : i32
      %broadcast_in_dim3A_455 = vector.broadcast %broadcast_in_dim3A_454 : i32 to vector<16xi32>
      %gather3A_456 = tpu.vector_load_idx %arg7[%add3A_22, %broadcast_in_dim3A_455] : memref<512x64xf32, #tpu.memory_space<vmem>>[vector<16xi32>, vector<16xi32>], vector<16xf32>,
      %gather3A_457 = tpu.vector_load_idx %arg8[%add3A_22, %broadcast_in_dim3A_455] : memref<512x64xf32, #tpu.memory_space<vmem>>[vector<16xi32>, vector<16xi32>], vector<16xf32>,
      %mul3A_458 = arith.mulf %gather3A_456, %gather3A_456 : vector<16xf32>
      %add3A_459 = arith.addf %add3A_449, %mul3A_458 : vector<16xf32>
      %mul3A_460 = arith.mulf %gather3A_457, %gather3A_457 : vector<16xf32>
      %add3A_461 = arith.addf %add3A_451, %mul3A_460 : vector<16xf32>
      %mul3A_462 = arith.mulf %gather3A_456, %gather3A_457 : vector<16xf32>
      %add3A_463 = arith.addf %add3A_453, %mul3A_462 : vector<16xf32>
      %broadcast_in_dim3A_464 = arith.constant 44 : i32
      %broadcast_in_dim3A_465 = vector.broadcast %broadcast_in_dim3A_464 : i32 to vector<16xi32>
      %gather3A_466 = tpu.vector_load_idx %arg7[%add3A_22, %broadcast_in_dim3A_465] : memref<512x64xf32, #tpu.memory_space<vmem>>[vector<16xi32>, vector<16xi32>], vector<16xf32>,
      %gather3A_467 = tpu.vector_load_idx %arg8[%add3A_22, %broadcast_in_dim3A_465] : memref<512x64xf32, #tpu.memory_space<vmem>>[vector<16xi32>, vector<16xi32>], vector<16xf32>,
      %mul3A_468 = arith.mulf %gather3A_466, %gather3A_466 : vector<16xf32>
      %add3A_469 = arith.addf %add3A_459, %mul3A_468 : vector<16xf32>
      %mul3A_470 = arith.mulf %gather3A_467, %gather3A_467 : vector<16xf32>
      %add3A_471 = arith.addf %add3A_461, %mul3A_470 : vector<16xf32>
      %mul3A_472 = arith.mulf %gather3A_466, %gather3A_467 : vector<16xf32>
      %add3A_473 = arith.addf %add3A_463, %mul3A_472 : vector<16xf32>
      %broadcast_in_dim3A_474 = arith.constant 45 : i32
      %broadcast_in_dim3A_475 = vector.broadcast %broadcast_in_dim3A_474 : i32 to vector<16xi32>
      %gather3A_476 = tpu.vector_load_idx %arg7[%add3A_22, %broadcast_in_dim3A_475] : memref<512x64xf32, #tpu.memory_space<vmem>>[vector<16xi32>, vector<16xi32>], vector<16xf32>,
      %gather3A_477 = tpu.vector_load_idx %arg8[%add3A_22, %broadcast_in_dim3A_475] : memref<512x64xf32, #tpu.memory_space<vmem>>[vector<16xi32>, vector<16xi32>], vector<16xf32>,
      %mul3A_478 = arith.mulf %gather3A_476, %gather3A_476 : vector<16xf32>
      %add3A_479 = arith.addf %add3A_469, %mul3A_478 : vector<16xf32>
      %mul3A_480 = arith.mulf %gather3A_477, %gather3A_477 : vector<16xf32>
      %add3A_481 = arith.addf %add3A_471, %mul3A_480 : vector<16xf32>
      %mul3A_482 = arith.mulf %gather3A_476, %gather3A_477 : vector<16xf32>
      %add3A_483 = arith.addf %add3A_473, %mul3A_482 : vector<16xf32>
      %broadcast_in_dim3A_484 = arith.constant 46 : i32
      %broadcast_in_dim3A_485 = vector.broadcast %broadcast_in_dim3A_484 : i32 to vector<16xi32>
      %gather3A_486 = tpu.vector_load_idx %arg7[%add3A_22, %broadcast_in_dim3A_485] : memref<512x64xf32, #tpu.memory_space<vmem>>[vector<16xi32>, vector<16xi32>], vector<16xf32>,
      %gather3A_487 = tpu.vector_load_idx %arg8[%add3A_22, %broadcast_in_dim3A_485] : memref<512x64xf32, #tpu.memory_space<vmem>>[vector<16xi32>, vector<16xi32>], vector<16xf32>,
      %mul3A_488 = arith.mulf %gather3A_486, %gather3A_486 : vector<16xf32>
      %add3A_489 = arith.addf %add3A_479, %mul3A_488 : vector<16xf32>
      %mul3A_490 = arith.mulf %gather3A_487, %gather3A_487 : vector<16xf32>
      %add3A_491 = arith.addf %add3A_481, %mul3A_490 : vector<16xf32>
      %mul3A_492 = arith.mulf %gather3A_486, %gather3A_487 : vector<16xf32>
      %add3A_493 = arith.addf %add3A_483, %mul3A_492 : vector<16xf32>
      %broadcast_in_dim3A_494 = arith.constant 47 : i32
      %broadcast_in_dim3A_495 = vector.broadcast %broadcast_in_dim3A_494 : i32 to vector<16xi32>
      %gather3A_496 = tpu.vector_load_idx %arg7[%add3A_22, %broadcast_in_dim3A_495] : memref<512x64xf32, #tpu.memory_space<vmem>>[vector<16xi32>, vector<16xi32>], vector<16xf32>,
      %gather3A_497 = tpu.vector_load_idx %arg8[%add3A_22, %broadcast_in_dim3A_495] : memref<512x64xf32, #tpu.memory_space<vmem>>[vector<16xi32>, vector<16xi32>], vector<16xf32>,
      %mul3A_498 = arith.mulf %gather3A_496, %gather3A_496 : vector<16xf32>
      %add3A_499 = arith.addf %add3A_489, %mul3A_498 : vector<16xf32>
      %mul3A_500 = arith.mulf %gather3A_497, %gather3A_497 : vector<16xf32>
      %add3A_501 = arith.addf %add3A_491, %mul3A_500 : vector<16xf32>
      %mul3A_502 = arith.mulf %gather3A_496, %gather3A_497 : vector<16xf32>
      %add3A_503 = arith.addf %add3A_493, %mul3A_502 : vector<16xf32>
      %broadcast_in_dim3A_504 = arith.constant 48 : i32
      %broadcast_in_dim3A_505 = vector.broadcast %broadcast_in_dim3A_504 : i32 to vector<16xi32>
      %gather3A_506 = tpu.vector_load_idx %arg7[%add3A_22, %broadcast_in_dim3A_505] : memref<512x64xf32, #tpu.memory_space<vmem>>[vector<16xi32>, vector<16xi32>], vector<16xf32>,
      %gather3A_507 = tpu.vector_load_idx %arg8[%add3A_22, %broadcast_in_dim3A_505] : memref<512x64xf32, #tpu.memory_space<vmem>>[vector<16xi32>, vector<16xi32>], vector<16xf32>,
      %mul3A_508 = arith.mulf %gather3A_506, %gather3A_506 : vector<16xf32>
      %add3A_509 = arith.addf %add3A_499, %mul3A_508 : vector<16xf32>
      %mul3A_510 = arith.mulf %gather3A_507, %gather3A_507 : vector<16xf32>
      %add3A_511 = arith.addf %add3A_501, %mul3A_510 : vector<16xf32>
      %mul3A_512 = arith.mulf %gather3A_506, %gather3A_507 : vector<16xf32>
      %add3A_513 = arith.addf %add3A_503, %mul3A_512 : vector<16xf32>
      %broadcast_in_dim3A_514 = arith.constant 49 : i32
      %broadcast_in_dim3A_515 = vector.broadcast %broadcast_in_dim3A_514 : i32 to vector<16xi32>
      %gather3A_516 = tpu.vector_load_idx %arg7[%add3A_22, %broadcast_in_dim3A_515] : memref<512x64xf32, #tpu.memory_space<vmem>>[vector<16xi32>, vector<16xi32>], vector<16xf32>,
      %gather3A_517 = tpu.vector_load_idx %arg8[%add3A_22, %broadcast_in_dim3A_515] : memref<512x64xf32, #tpu.memory_space<vmem>>[vector<16xi32>, vector<16xi32>], vector<16xf32>,
      %mul3A_518 = arith.mulf %gather3A_516, %gather3A_516 : vector<16xf32>
      %add3A_519 = arith.addf %add3A_509, %mul3A_518 : vector<16xf32>
      %mul3A_520 = arith.mulf %gather3A_517, %gather3A_517 : vector<16xf32>
      %add3A_521 = arith.addf %add3A_511, %mul3A_520 : vector<16xf32>
      %mul3A_522 = arith.mulf %gather3A_516, %gather3A_517 : vector<16xf32>
      %add3A_523 = arith.addf %add3A_513, %mul3A_522 : vector<16xf32>
      %broadcast_in_dim3A_524 = arith.constant 50 : i32
      %broadcast_in_dim3A_525 = vector.broadcast %broadcast_in_dim3A_524 : i32 to vector<16xi32>
      %gather3A_526 = tpu.vector_load_idx %arg7[%add3A_22, %broadcast_in_dim3A_525] : memref<512x64xf32, #tpu.memory_space<vmem>>[vector<16xi32>, vector<16xi32>], vector<16xf32>,
      %gather3A_527 = tpu.vector_load_idx %arg8[%add3A_22, %broadcast_in_dim3A_525] : memref<512x64xf32, #tpu.memory_space<vmem>>[vector<16xi32>, vector<16xi32>], vector<16xf32>,
      %mul3A_528 = arith.mulf %gather3A_526, %gather3A_526 : vector<16xf32>
      %add3A_529 = arith.addf %add3A_519, %mul3A_528 : vector<16xf32>
      %mul3A_530 = arith.mulf %gather3A_527, %gather3A_527 : vector<16xf32>
      %add3A_531 = arith.addf %add3A_521, %mul3A_530 : vector<16xf32>
      %mul3A_532 = arith.mulf %gather3A_526, %gather3A_527 : vector<16xf32>
      %add3A_533 = arith.addf %add3A_523, %mul3A_532 : vector<16xf32>
      %broadcast_in_dim3A_534 = arith.constant 51 : i32
      %broadcast_in_dim3A_535 = vector.broadcast %broadcast_in_dim3A_534 : i32 to vector<16xi32>
      %gather3A_536 = tpu.vector_load_idx %arg7[%add3A_22, %broadcast_in_dim3A_535] : memref<512x64xf32, #tpu.memory_space<vmem>>[vector<16xi32>, vector<16xi32>], vector<16xf32>,
      %gather3A_537 = tpu.vector_load_idx %arg8[%add3A_22, %broadcast_in_dim3A_535] : memref<512x64xf32, #tpu.memory_space<vmem>>[vector<16xi32>, vector<16xi32>], vector<16xf32>,
      %mul3A_538 = arith.mulf %gather3A_536, %gather3A_536 : vector<16xf32>
      %add3A_539 = arith.addf %add3A_529, %mul3A_538 : vector<16xf32>
      %mul3A_540 = arith.mulf %gather3A_537, %gather3A_537 : vector<16xf32>
      %add3A_541 = arith.addf %add3A_531, %mul3A_540 : vector<16xf32>
      %mul3A_542 = arith.mulf %gather3A_536, %gather3A_537 : vector<16xf32>
      %add3A_543 = arith.addf %add3A_533, %mul3A_542 : vector<16xf32>
      %broadcast_in_dim3A_544 = arith.constant 52 : i32
      %broadcast_in_dim3A_545 = vector.broadcast %broadcast_in_dim3A_544 : i32 to vector<16xi32>
      %gather3A_546 = tpu.vector_load_idx %arg7[%add3A_22, %broadcast_in_dim3A_545] : memref<512x64xf32, #tpu.memory_space<vmem>>[vector<16xi32>, vector<16xi32>], vector<16xf32>,
      %gather3A_547 = tpu.vector_load_idx %arg8[%add3A_22, %broadcast_in_dim3A_545] : memref<512x64xf32, #tpu.memory_space<vmem>>[vector<16xi32>, vector<16xi32>], vector<16xf32>,
      %mul3A_548 = arith.mulf %gather3A_546, %gather3A_546 : vector<16xf32>
      %add3A_549 = arith.addf %add3A_539, %mul3A_548 : vector<16xf32>
      %mul3A_550 = arith.mulf %gather3A_547, %gather3A_547 : vector<16xf32>
      %add3A_551 = arith.addf %add3A_541, %mul3A_550 : vector<16xf32>
      %mul3A_552 = arith.mulf %gather3A_546, %gather3A_547 : vector<16xf32>
      %add3A_553 = arith.addf %add3A_543, %mul3A_552 : vector<16xf32>
      %broadcast_in_dim3A_554 = arith.constant 53 : i32
      %broadcast_in_dim3A_555 = vector.broadcast %broadcast_in_dim3A_554 : i32 to vector<16xi32>
      %gather3A_556 = tpu.vector_load_idx %arg7[%add3A_22, %broadcast_in_dim3A_555] : memref<512x64xf32, #tpu.memory_space<vmem>>[vector<16xi32>, vector<16xi32>], vector<16xf32>,
      %gather3A_557 = tpu.vector_load_idx %arg8[%add3A_22, %broadcast_in_dim3A_555] : memref<512x64xf32, #tpu.memory_space<vmem>>[vector<16xi32>, vector<16xi32>], vector<16xf32>,
      %mul3A_558 = arith.mulf %gather3A_556, %gather3A_556 : vector<16xf32>
      %add3A_559 = arith.addf %add3A_549, %mul3A_558 : vector<16xf32>
      %mul3A_560 = arith.mulf %gather3A_557, %gather3A_557 : vector<16xf32>
      %add3A_561 = arith.addf %add3A_551, %mul3A_560 : vector<16xf32>
      %mul3A_562 = arith.mulf %gather3A_556, %gather3A_557 : vector<16xf32>
      %add3A_563 = arith.addf %add3A_553, %mul3A_562 : vector<16xf32>
      %broadcast_in_dim3A_564 = arith.constant 54 : i32
      %broadcast_in_dim3A_565 = vector.broadcast %broadcast_in_dim3A_564 : i32 to vector<16xi32>
      %gather3A_566 = tpu.vector_load_idx %arg7[%add3A_22, %broadcast_in_dim3A_565] : memref<512x64xf32, #tpu.memory_space<vmem>>[vector<16xi32>, vector<16xi32>], vector<16xf32>,
      %gather3A_567 = tpu.vector_load_idx %arg8[%add3A_22, %broadcast_in_dim3A_565] : memref<512x64xf32, #tpu.memory_space<vmem>>[vector<16xi32>, vector<16xi32>], vector<16xf32>,
      %mul3A_568 = arith.mulf %gather3A_566, %gather3A_566 : vector<16xf32>
      %add3A_569 = arith.addf %add3A_559, %mul3A_568 : vector<16xf32>
      %mul3A_570 = arith.mulf %gather3A_567, %gather3A_567 : vector<16xf32>
      %add3A_571 = arith.addf %add3A_561, %mul3A_570 : vector<16xf32>
      %mul3A_572 = arith.mulf %gather3A_566, %gather3A_567 : vector<16xf32>
      %add3A_573 = arith.addf %add3A_563, %mul3A_572 : vector<16xf32>
      %broadcast_in_dim3A_574 = arith.constant 55 : i32
      %broadcast_in_dim3A_575 = vector.broadcast %broadcast_in_dim3A_574 : i32 to vector<16xi32>
      %gather3A_576 = tpu.vector_load_idx %arg7[%add3A_22, %broadcast_in_dim3A_575] : memref<512x64xf32, #tpu.memory_space<vmem>>[vector<16xi32>, vector<16xi32>], vector<16xf32>,
      %gather3A_577 = tpu.vector_load_idx %arg8[%add3A_22, %broadcast_in_dim3A_575] : memref<512x64xf32, #tpu.memory_space<vmem>>[vector<16xi32>, vector<16xi32>], vector<16xf32>,
      %mul3A_578 = arith.mulf %gather3A_576, %gather3A_576 : vector<16xf32>
      %add3A_579 = arith.addf %add3A_569, %mul3A_578 : vector<16xf32>
      %mul3A_580 = arith.mulf %gather3A_577, %gather3A_577 : vector<16xf32>
      %add3A_581 = arith.addf %add3A_571, %mul3A_580 : vector<16xf32>
      %mul3A_582 = arith.mulf %gather3A_576, %gather3A_577 : vector<16xf32>
      %add3A_583 = arith.addf %add3A_573, %mul3A_582 : vector<16xf32>
      %broadcast_in_dim3A_584 = arith.constant 56 : i32
      %broadcast_in_dim3A_585 = vector.broadcast %broadcast_in_dim3A_584 : i32 to vector<16xi32>
      %gather3A_586 = tpu.vector_load_idx %arg7[%add3A_22, %broadcast_in_dim3A_585] : memref<512x64xf32, #tpu.memory_space<vmem>>[vector<16xi32>, vector<16xi32>], vector<16xf32>,
      %gather3A_587 = tpu.vector_load_idx %arg8[%add3A_22, %broadcast_in_dim3A_585] : memref<512x64xf32, #tpu.memory_space<vmem>>[vector<16xi32>, vector<16xi32>], vector<16xf32>,
      %mul3A_588 = arith.mulf %gather3A_586, %gather3A_586 : vector<16xf32>
      %add3A_589 = arith.addf %add3A_579, %mul3A_588 : vector<16xf32>
      %mul3A_590 = arith.mulf %gather3A_587, %gather3A_587 : vector<16xf32>
      %add3A_591 = arith.addf %add3A_581, %mul3A_590 : vector<16xf32>
      %mul3A_592 = arith.mulf %gather3A_586, %gather3A_587 : vector<16xf32>
      %add3A_593 = arith.addf %add3A_583, %mul3A_592 : vector<16xf32>
      %broadcast_in_dim3A_594 = arith.constant 57 : i32
      %broadcast_in_dim3A_595 = vector.broadcast %broadcast_in_dim3A_594 : i32 to vector<16xi32>
      %gather3A_596 = tpu.vector_load_idx %arg7[%add3A_22, %broadcast_in_dim3A_595] : memref<512x64xf32, #tpu.memory_space<vmem>>[vector<16xi32>, vector<16xi32>], vector<16xf32>,
      %gather3A_597 = tpu.vector_load_idx %arg8[%add3A_22, %broadcast_in_dim3A_595] : memref<512x64xf32, #tpu.memory_space<vmem>>[vector<16xi32>, vector<16xi32>], vector<16xf32>,
      %mul3A_598 = arith.mulf %gather3A_596, %gather3A_596 : vector<16xf32>
      %add3A_599 = arith.addf %add3A_589, %mul3A_598 : vector<16xf32>
      %mul3A_600 = arith.mulf %gather3A_597, %gather3A_597 : vector<16xf32>
      %add3A_601 = arith.addf %add3A_591, %mul3A_600 : vector<16xf32>
      %mul3A_602 = arith.mulf %gather3A_596, %gather3A_597 : vector<16xf32>
      %add3A_603 = arith.addf %add3A_593, %mul3A_602 : vector<16xf32>
      %broadcast_in_dim3A_604 = arith.constant 58 : i32
      %broadcast_in_dim3A_605 = vector.broadcast %broadcast_in_dim3A_604 : i32 to vector<16xi32>
      %gather3A_606 = tpu.vector_load_idx %arg7[%add3A_22, %broadcast_in_dim3A_605] : memref<512x64xf32, #tpu.memory_space<vmem>>[vector<16xi32>, vector<16xi32>], vector<16xf32>,
      %gather3A_607 = tpu.vector_load_idx %arg8[%add3A_22, %broadcast_in_dim3A_605] : memref<512x64xf32, #tpu.memory_space<vmem>>[vector<16xi32>, vector<16xi32>], vector<16xf32>,
      %mul3A_608 = arith.mulf %gather3A_606, %gather3A_606 : vector<16xf32>
      %add3A_609 = arith.addf %add3A_599, %mul3A_608 : vector<16xf32>
      %mul3A_610 = arith.mulf %gather3A_607, %gather3A_607 : vector<16xf32>
      %add3A_611 = arith.addf %add3A_601, %mul3A_610 : vector<16xf32>
      %mul3A_612 = arith.mulf %gather3A_606, %gather3A_607 : vector<16xf32>
      %add3A_613 = arith.addf %add3A_603, %mul3A_612 : vector<16xf32>
      %broadcast_in_dim3A_614 = arith.constant 59 : i32
      %broadcast_in_dim3A_615 = vector.broadcast %broadcast_in_dim3A_614 : i32 to vector<16xi32>
      %gather3A_616 = tpu.vector_load_idx %arg7[%add3A_22, %broadcast_in_dim3A_615] : memref<512x64xf32, #tpu.memory_space<vmem>>[vector<16xi32>, vector<16xi32>], vector<16xf32>,
      %gather3A_617 = tpu.vector_load_idx %arg8[%add3A_22, %broadcast_in_dim3A_615] : memref<512x64xf32, #tpu.memory_space<vmem>>[vector<16xi32>, vector<16xi32>], vector<16xf32>,
      %mul3A_618 = arith.mulf %gather3A_616, %gather3A_616 : vector<16xf32>
      %add3A_619 = arith.addf %add3A_609, %mul3A_618 : vector<16xf32>
      %mul3A_620 = arith.mulf %gather3A_617, %gather3A_617 : vector<16xf32>
      %add3A_621 = arith.addf %add3A_611, %mul3A_620 : vector<16xf32>
      %mul3A_622 = arith.mulf %gather3A_616, %gather3A_617 : vector<16xf32>
      %add3A_623 = arith.addf %add3A_613, %mul3A_622 : vector<16xf32>
      %broadcast_in_dim3A_624 = arith.constant 60 : i32
      %broadcast_in_dim3A_625 = vector.broadcast %broadcast_in_dim3A_624 : i32 to vector<16xi32>
      %gather3A_626 = tpu.vector_load_idx %arg7[%add3A_22, %broadcast_in_dim3A_625] : memref<512x64xf32, #tpu.memory_space<vmem>>[vector<16xi32>, vector<16xi32>], vector<16xf32>,
      %gather3A_627 = tpu.vector_load_idx %arg8[%add3A_22, %broadcast_in_dim3A_625] : memref<512x64xf32, #tpu.memory_space<vmem>>[vector<16xi32>, vector<16xi32>], vector<16xf32>,
      %mul3A_628 = arith.mulf %gather3A_626, %gather3A_626 : vector<16xf32>
      %add3A_629 = arith.addf %add3A_619, %mul3A_628 : vector<16xf32>
      %mul3A_630 = arith.mulf %gather3A_627, %gather3A_627 : vector<16xf32>
      %add3A_631 = arith.addf %add3A_621, %mul3A_630 : vector<16xf32>
      %mul3A_632 = arith.mulf %gather3A_626, %gather3A_627 : vector<16xf32>
      %add3A_633 = arith.addf %add3A_623, %mul3A_632 : vector<16xf32>
      %broadcast_in_dim3A_634 = arith.constant 61 : i32
      %broadcast_in_dim3A_635 = vector.broadcast %broadcast_in_dim3A_634 : i32 to vector<16xi32>
      %gather3A_636 = tpu.vector_load_idx %arg7[%add3A_22, %broadcast_in_dim3A_635] : memref<512x64xf32, #tpu.memory_space<vmem>>[vector<16xi32>, vector<16xi32>], vector<16xf32>,
      %gather3A_637 = tpu.vector_load_idx %arg8[%add3A_22, %broadcast_in_dim3A_635] : memref<512x64xf32, #tpu.memory_space<vmem>>[vector<16xi32>, vector<16xi32>], vector<16xf32>,
      %mul3A_638 = arith.mulf %gather3A_636, %gather3A_636 : vector<16xf32>
      %add3A_639 = arith.addf %add3A_629, %mul3A_638 : vector<16xf32>
      %mul3A_640 = arith.mulf %gather3A_637, %gather3A_637 : vector<16xf32>
      %add3A_641 = arith.addf %add3A_631, %mul3A_640 : vector<16xf32>
      %mul3A_642 = arith.mulf %gather3A_636, %gather3A_637 : vector<16xf32>
      %add3A_643 = arith.addf %add3A_633, %mul3A_642 : vector<16xf32>
      %broadcast_in_dim3A_644 = arith.constant 62 : i32
      %broadcast_in_dim3A_645 = vector.broadcast %broadcast_in_dim3A_644 : i32 to vector<16xi32>
      %gather3A_646 = tpu.vector_load_idx %arg7[%add3A_22, %broadcast_in_dim3A_645] : memref<512x64xf32, #tpu.memory_space<vmem>>[vector<16xi32>, vector<16xi32>], vector<16xf32>,
      %gather3A_647 = tpu.vector_load_idx %arg8[%add3A_22, %broadcast_in_dim3A_645] : memref<512x64xf32, #tpu.memory_space<vmem>>[vector<16xi32>, vector<16xi32>], vector<16xf32>,
      %mul3A_648 = arith.mulf %gather3A_646, %gather3A_646 : vector<16xf32>
      %add3A_649 = arith.addf %add3A_639, %mul3A_648 : vector<16xf32>
      %mul3A_650 = arith.mulf %gather3A_647, %gather3A_647 : vector<16xf32>
      %add3A_651 = arith.addf %add3A_641, %mul3A_650 : vector<16xf32>
      %mul3A_652 = arith.mulf %gather3A_646, %gather3A_647 : vector<16xf32>
      %add3A_653 = arith.addf %add3A_643, %mul3A_652 : vector<16xf32>
      %broadcast_in_dim3A_654 = arith.constant 63 : i32
      %broadcast_in_dim3A_655 = vector.broadcast %broadcast_in_dim3A_654 : i32 to vector<16xi32>
      %gather3A_656 = tpu.vector_load_idx %arg7[%add3A_22, %broadcast_in_dim3A_655] : memref<512x64xf32, #tpu.memory_space<vmem>>[vector<16xi32>, vector<16xi32>], vector<16xf32>,
      %gather3A_657 = tpu.vector_load_idx %arg8[%add3A_22, %broadcast_in_dim3A_655] : memref<512x64xf32, #tpu.memory_space<vmem>>[vector<16xi32>, vector<16xi32>], vector<16xf32>,
      %mul3A_658 = arith.mulf %gather3A_656, %gather3A_656 : vector<16xf32>
      %add3A_659 = arith.addf %add3A_649, %mul3A_658 : vector<16xf32>
      %mul3A_660 = arith.mulf %gather3A_657, %gather3A_657 : vector<16xf32>
      %add3A_661 = arith.addf %add3A_651, %mul3A_660 : vector<16xf32>
      %mul3A_662 = arith.mulf %gather3A_656, %gather3A_657 : vector<16xf32>
      %add3A_663 = arith.addf %add3A_653, %mul3A_662 : vector<16xf32>
      %bitcast_convert_type3A = tpu.bitcast %add3A_659 : vector<16xf32> -> vector<16xi32>
      %shift_right_arithmetic3A = arith.constant 1 : i32
      %shift_right_arithmetic3A_664 = vector.broadcast %shift_right_arithmetic3A : i32 to vector<16xi32>
      %shift_right_arithmetic3A_665 = arith.shrsi %bitcast_convert_type3A, %shift_right_arithmetic3A_664 : vector<16xi32>
      %sub3A = arith.constant 1597463007 : i32
      %sub3A_666 = vector.broadcast %sub3A : i32 to vector<16xi32>
      %sub3A_667 = arith.subi %sub3A_666, %shift_right_arithmetic3A_665 : vector<16xi32>
      %bitcast_convert_type3A_668 = tpu.bitcast %sub3A_667 : vector<16xi32> -> vector<16xf32>
      %mul3A_669 = arith.constant 5.000000e-01 : f32
      %mul3A_670 = vector.broadcast %mul3A_669 : f32 to vector<16xf32>
      %mul3A_671 = arith.mulf %add3A_659, %mul3A_670 : vector<16xf32>
      %mul3A_672 = arith.mulf %mul3A_671, %bitcast_convert_type3A_668 : vector<16xf32>
      %mul3A_673 = arith.mulf %mul3A_672, %bitcast_convert_type3A_668 : vector<16xf32>
      %sub3A_674 = arith.constant 1.500000e+00 : f32
      %sub3A_675 = vector.broadcast %sub3A_674 : f32 to vector<16xf32>
      %sub3A_676 = arith.subf %sub3A_675, %mul3A_673 : vector<16xf32>
      %mul3A_677 = arith.mulf %bitcast_convert_type3A_668, %sub3A_676 : vector<16xf32>
      %mul3A_678 = arith.mulf %mul3A_671, %mul3A_677 : vector<16xf32>
      %mul3A_679 = arith.mulf %mul3A_678, %mul3A_677 : vector<16xf32>
      %sub3A_680 = arith.constant 1.500000e+00 : f32
      %sub3A_681 = vector.broadcast %sub3A_680 : f32 to vector<16xf32>
      %sub3A_682 = arith.subf %sub3A_681, %mul3A_679 : vector<16xf32>
      %mul3A_683 = arith.mulf %mul3A_677, %sub3A_682 : vector<16xf32>
      %mul3A_684 = arith.mulf %mul3A_671, %mul3A_683 : vector<16xf32>
      %mul3A_685 = arith.mulf %mul3A_684, %mul3A_683 : vector<16xf32>
      %sub3A_686 = arith.constant 1.500000e+00 : f32
      %sub3A_687 = vector.broadcast %sub3A_686 : f32 to vector<16xf32>
      %sub3A_688 = arith.subf %sub3A_687, %mul3A_685 : vector<16xf32>
      %mul3A_689 = arith.mulf %mul3A_683, %sub3A_688 : vector<16xf32>
      %min3A = arith.constant 9.99999995E+11 : f32
      %min3A_690 = vector.broadcast %min3A : f32 to vector<16xf32>
      %min3A_691 = arith.minimumf %mul3A_689, %min3A_690 : vector<16xf32>
      %bitcast_convert_type3A_692 = tpu.bitcast %add3A_661 : vector<16xf32> -> vector<16xi32>
      %shift_right_arithmetic3A_693 = arith.constant 1 : i32
      %shift_right_arithmetic3A_694 = vector.broadcast %shift_right_arithmetic3A_693 : i32 to vector<16xi32>
      %shift_right_arithmetic3A_695 = arith.shrsi %bitcast_convert_type3A_692, %shift_right_arithmetic3A_694 : vector<16xi32>
      %sub3A_696 = arith.constant 1597463007 : i32
      %sub3A_697 = vector.broadcast %sub3A_696 : i32 to vector<16xi32>
      %sub3A_698 = arith.subi %sub3A_697, %shift_right_arithmetic3A_695 : vector<16xi32>
      %bitcast_convert_type3A_699 = tpu.bitcast %sub3A_698 : vector<16xi32> -> vector<16xf32>
      %mul3A_700 = arith.constant 5.000000e-01 : f32
      %mul3A_701 = vector.broadcast %mul3A_700 : f32 to vector<16xf32>
      %mul3A_702 = arith.mulf %add3A_661, %mul3A_701 : vector<16xf32>
      %mul3A_703 = arith.mulf %mul3A_702, %bitcast_convert_type3A_699 : vector<16xf32>
      %mul3A_704 = arith.mulf %mul3A_703, %bitcast_convert_type3A_699 : vector<16xf32>
      %sub3A_705 = arith.constant 1.500000e+00 : f32
      %sub3A_706 = vector.broadcast %sub3A_705 : f32 to vector<16xf32>
      %sub3A_707 = arith.subf %sub3A_706, %mul3A_704 : vector<16xf32>
      %mul3A_708 = arith.mulf %bitcast_convert_type3A_699, %sub3A_707 : vector<16xf32>
      %mul3A_709 = arith.mulf %mul3A_702, %mul3A_708 : vector<16xf32>
      %mul3A_710 = arith.mulf %mul3A_709, %mul3A_708 : vector<16xf32>
      %sub3A_711 = arith.constant 1.500000e+00 : f32
      %sub3A_712 = vector.broadcast %sub3A_711 : f32 to vector<16xf32>
      %sub3A_713 = arith.subf %sub3A_712, %mul3A_710 : vector<16xf32>
      %mul3A_714 = arith.mulf %mul3A_708, %sub3A_713 : vector<16xf32>
      %mul3A_715 = arith.mulf %mul3A_702, %mul3A_714 : vector<16xf32>
      %mul3A_716 = arith.mulf %mul3A_715, %mul3A_714 : vector<16xf32>
      %sub3A_717 = arith.constant 1.500000e+00 : f32
      %sub3A_718 = vector.broadcast %sub3A_717 : f32 to vector<16xf32>
      %sub3A_719 = arith.subf %sub3A_718, %mul3A_716 : vector<16xf32>
      %mul3A_720 = arith.mulf %mul3A_714, %sub3A_719 : vector<16xf32>
      %min3A_721 = arith.constant 9.99999995E+11 : f32
      %min3A_722 = vector.broadcast %min3A_721 : f32 to vector<16xf32>
      %min3A_723 = arith.minimumf %mul3A_720, %min3A_722 : vector<16xf32>
      %mul3A_724 = arith.mulf %add3A_659, %min3A_691 : vector<16xf32>
      %mul3A_725 = arith.mulf %mul3A_724, %min3A_691 : vector<16xf32>
      %mul3A_726 = arith.mulf %add3A_661, %min3A_723 : vector<16xf32>
      %mul3A_727 = arith.mulf %mul3A_726, %min3A_723 : vector<16xf32>
      %add3A_728 = arith.addf %mul3A_725, %mul3A_727 : vector<16xf32>
      %mul3A_729 = arith.constant 2.000000e+00 : f32
      %mul3A_730 = vector.broadcast %mul3A_729 : f32 to vector<16xf32>
      %mul3A_731 = arith.mulf %mul3A_730, %add3A_663 : vector<16xf32>
      %mul3A_732 = arith.mulf %mul3A_731, %min3A_691 : vector<16xf32>
      %mul3A_733 = arith.mulf %mul3A_732, %min3A_723 : vector<16xf32>
      %sub3A_734 = arith.subf %add3A_728, %mul3A_733 : vector<16xf32>
      %jit3A = arith.constant 9.99999996E-13 : f32
      %jit3A_735 = arith.constant 9.99999995E+11 : f32
      %max3A = vector.broadcast %jit3A : f32 to vector<16xf32>
      %max3A_736 = arith.maximumf %max3A, %sub3A_734 : vector<16xf32>
      %min3A_737 = vector.broadcast %jit3A_735 : f32 to vector<16xf32>
      %min3A_738 = arith.minimumf %min3A_737, %max3A_736 : vector<16xf32>
      %add3A_739 = arith.addf %scan3A_18, %min3A_738 : vector<16xf32>
      scf.yield %add3A_739 : vector<16xf32>
    }
    %scan3A_12 = arith.constant 32 : i32
    %mul3A_13 = arith.constant 6.10351563E-5 : f32
    %mul3A_14 = vector.broadcast %mul3A_13 : f32 to vector<16xf32>
    %mul3A_15 = arith.mulf %scan3A_11, %mul3A_14 : vector<16xf32>
    %swap3A = arith.constant 0 : index
    %swap3A_16 = tpu.vector_load %arg9[%swap3A] {strides = array<i32>} : memref<16xf32, #tpu.memory_space<vmem>>, vector<16xf32>,
    tpu.vector_store %arg9[%swap3A], %mul3A_15 {strides = array<i32>} : memref<16xf32, #tpu.memory_space<vmem>>, vector<16xf32>,
    "tpu.region"() ({
      %run_scoped3A = tpu.sem_alloc : memref<!tpu.dma_semaphore, #tpu.memory_space<semaphore_mem>>
      %dma_start3A_17 = arith.constant 0 : i32
      %dma_start3A_18 = tpu.memref_slice %arg5[%add3A, %dma_start3A_17] : memref<32x16xf32, #tpu.memory_space<hbm>> -> memref<1x16xf32, #tpu.memory_space<hbm>>
      %dma_start3A_19 = tpu.memref_squeeze %dma_start3A_18 : memref<1x16xf32, #tpu.memory_space<hbm>> -> memref<16xf32, #tpu.memory_space<hbm>>
      %dma_start3A_20 = arith.constant 0 : i32
      %dma_start3A_21 = tpu.memref_slice %arg5[%add3A, %dma_start3A_20] : memref<32x16xf32, #tpu.memory_space<hbm>> -> memref<1x16xf32, #tpu.memory_space<hbm>>
      %dma_start3A_22 = tpu.memref_squeeze %dma_start3A_21 : memref<1x16xf32, #tpu.memory_space<hbm>> -> memref<16xf32, #tpu.memory_space<hbm>>
      tpu.enqueue_dma source(%arg9 : memref<16xf32, #tpu.memory_space<vmem>>) target(%dma_start3A_22 : memref<16xf32, #tpu.memory_space<hbm>>) target_semaphore(%run_scoped3A : memref<!tpu.dma_semaphore, #tpu.memory_space<semaphore_mem>>)
      %dma_wait3A_23 = arith.constant 0 : i32
      %dma_wait3A_24 = tpu.memref_slice %arg5[%add3A, %dma_wait3A_23] : memref<32x16xf32, #tpu.memory_space<hbm>> -> memref<1x16xf32, #tpu.memory_space<hbm>>
      %dma_wait3A_25 = tpu.memref_squeeze %dma_wait3A_24 : memref<1x16xf32, #tpu.memory_space<hbm>> -> memref<16xf32, #tpu.memory_space<hbm>>
      %dma_wait3A_26 = arith.constant 0 : i32
      %dma_wait3A_27 = tpu.memref_slice %arg5[%add3A, %dma_wait3A_26] : memref<32x16xf32, #tpu.memory_space<hbm>> -> memref<1x16xf32, #tpu.memory_space<hbm>>
      %dma_wait3A_28 = tpu.memref_squeeze %dma_wait3A_27 : memref<1x16xf32, #tpu.memory_space<hbm>> -> memref<16xf32, #tpu.memory_space<hbm>>
      tpu.wait_dma2 semaphore(%run_scoped3A : memref<!tpu.dma_semaphore, #tpu.memory_space<semaphore_mem>>) src(%arg9 : memref<16xf32, #tpu.memory_space<vmem>>) dst(%dma_wait3A_28 : memref<16xf32, #tpu.memory_space<hbm>>)
      tpu.yield
    }) : () -> ()
    return
  }
}

</mosaic_0001>

<sc_bundles>
// kernel: kernel.3.cloned.1.call-start
scs
__scs_entry_jumppad:
0x0: {  	(pc) =	sbr.rel $0x88, $3  }
0x1: {  	(tag) =	ssettag $0x0;
	lr =	simm.s32 $0x1  }
0x2: {  	[smem:$0x3F9E] =	sst lr;
	_ =	strace $0xD0000000  }
0x3: {  	_ = 	snop  }
0x4: {  	_ = 	snop  }
0x5: {  	_ = 	snop  }
0x6: {  	_ = 	snop  }
0x7: {  	_ = 	snop  }
__scs_overlays_trampoline_lowered:
0x8: {  	[smem:$0x3FAD] =	sst s0  }
0x9: {  	[smem:$0x3FAE] =	sst s1  }
0xa: {  	[smem:$0x3FAF] =	sst s2  }
0xb: {  	[smem:$0x3FB0] =	sst s3  }
0xc: {  	[smem:$0x3FB1] =	sst s4  }
0xd: {  	[smem:$0x3FB2] =	sst s5  }
0xe: {  	[smem:$0x3FB3] =	sst s6  }
0xf: {  	[smem:$0x3FB4] =	sst s7  }
0x10: {  	[smem:$0x3FB5] =	sst s8  }
0x11: {  	[smem:$0x3FB6] =	sst s9;
	s0 =	simm.s32 @!p0 $0x0  }
0x12: {  	s1 =	sld [smem:$0x3F9C];
	s0 =	simm.s32 @p0 $0x1  }
0x13: {  	[smem:$0x3FB7] =	sst s0;
	s0 =	simm.s32 @!p1 $0x0  }
0x14: {  	s2 =	sld [smem:$0x3F9B];
	s0 =	simm.s32 @p1 $0x1  }
0x15: {  	[smem:$0x3FB8] =	sst s0;
	s0 =	simm.s32 @!p2 $0x0  }
0x16: {  	s3 =	sld [smem:$0x3FDB];
	s0 =	simm.s32 @p2 $0x1  }
0x17: {  	s4 =	simm.s32 $0x1BF5;
	[smem:$0x3FBA] =	sst s0  }
0x18: {  	s0 =	sld [smem:$0x3F9D];
	_ =	swait.ge [sflag:s4], $0x0  }
0x19: {  	s7 =	sld [smem:$0x3F9E]  }
0x1a: {  	s8 =	sadd.s32 $0xFFFFE003, lr  }
0x1b: {  	s9 =	sadd.s32 $0xFFFFFEF7, lr;
	s5 =	simm.s32 $0xFFFFFFFF;
	p2 =	slt.u32 s8, $0xFFFFF086  }
0x1c: {  	p1 =	slt.u32 s9, $0xF7A;
	s5 =	simm.s32 @!p2 $0x0  }
0x1d: {  	s5 =	simm.s32 @p1 $0x1;
	p0 =	seq.s32 s7, s2  }
0x1e: {  	s7 =	smul.u32 @!p0 $0xF7A, s2;
	p2 =	seq.s32 @!p0 s5, $0x0  }
0x1f: {  	s9 =	smul.u32 $0xF7A, s1;
	s8 =	simm.s32 @!p0 $0x1BF5;
	p2 =	por !p2, p0  }
0x20: {  	[sflag:s8] =	ssyncset.s32 @!p0 $0xFFFFF086;
	s6 =	sadd.s32 @!p0 s3, s7;
	s7 =	simm.s32 @!p0 $0x108  }
0x21: {  	s3 =	sadd.s32 s3, s9;
	s6 =	sadd.s32 @!p0 $0x88, s6;
	s7 =	simm.s32 @p2 $0x1082  }
0x22: {  	[simem:s7], [sflag:s8] =	dma.local @!p0 [hbm:s6], $0xF7A  }
0x23: {  	s9 =	sor.u32 $0xD0000000, s2;
	s6 =	simm.s32 $0x108;
	_ =	swait.ge @!p0 [sflag:s8], $0x0  }
0x24: {  	s3 =	sadd.s32 $0x88, s3;
	s6 =	simm.s32 @!p1 $0x1082;
	[sflag:s4] =	ssyncset.s32 $0xFFFFF086  }
0x25: {  	[simem:s6], [sflag:s4] =	dma.local [hbm:s3], $0xF7A  }
0x26: {  	[smem:$0x3F9E] =	sst s1;
	(tag) =	ssettag s2;
	_ =	strace s9  }
0x27: {  	s1 =	sld [smem:$0x3FAE]  }
0x28: {  	s2 =	sld [smem:$0x3FAF]  }
0x29: {  	s4 =	sld [smem:$0x3FB1]  }
0x2a: {  	p0 =	seq.s32 s5, $0x0;
	s5 =	sld [smem:$0x3FB2]  }
0x2b: {  	s6 =	sld [smem:$0x3FB3]  }
0x2c: {  	s7 =	sld [smem:$0x3FB4]  }
0x2d: {  	s3 =	simm.s32 $0x108;
	s8 =	sld [smem:$0x3FB5]  }
0x2e: {  	s3 =	simm.s32 @!p0 $0x1082;
	s9 =	sld [smem:$0x3FB6]  }
0x2f: {  	lr =	sadd.s32 s0, s3;
	s0 =	sld [smem:$0x3FAD]  }
0x30: {  	s3 =	sld [smem:$0x3FB0]  }
0x31: {  	[smem:$0x3FB9] =	sst s10  }
0x32: {  	s10 =	sld [smem:$0x3FB7];
	_ =	sdelay $0x3  }
0x33: {  	p0 =	seq.s32 s10, $0x1;
	s10 =	sld [smem:$0x3FB9];
	_ =	sdelay $0x3  }
0x34: {  	[smem:$0x3FB9] =	sst s10  }
0x35: {  	s10 =	sld [smem:$0x3FB8];
	_ =	sdelay $0x3  }
0x36: {  	p1 =	seq.s32 s10, $0x1;
	s10 =	sld [smem:$0x3FB9];
	_ =	sdelay $0x3  }
0x37: {  	[smem:$0x3FB9] =	sst s10  }
0x38: {  	s10 =	sld [smem:$0x3FBA]  }
0x39: {  	_ = 	snop;
	(pc) =	sbr.ind lr, $3  }
0x3a: {  	_ = 	snop  }
0x3b: {  	_ = 	snop  }
0x3c: {  	p2 =	seq.s32 s10, $0x1;
	s10 =	sld [smem:$0x3FB9]  }
0x3d: {  	_ =	shalt  }
0x3e: {  	_ =	shalt  }
0x3f: {  	_ =	shalt  }
0x40: {  	_ =	shalt  }
0x41: {  	_ =	shalt  }
0x42: {  	_ =	shalt  }
0x43: {  	_ =	shalt  }
0x44: {  	_ =	shalt  }
0x45: {  	_ =	shalt  }
0x46: {  	_ =	shalt  }
0x47: {  	_ =	shalt  }
0x48: {  	_ =	shalt  }
0x49: {  	_ =	shalt  }
0x4a: {  	_ =	shalt  }
0x4b: {  	_ =	shalt  }
0x4c: {  	_ =	shalt  }
0x4d: {  	_ =	shalt  }
0x4e: {  	_ =	shalt  }
0x4f: {  	_ =	shalt  }
0x50: {  	_ =	shalt  }
0x51: {  	_ =	shalt  }
0x52: {  	_ =	shalt  }
0x53: {  	_ =	shalt  }
0x54: {  	_ =	shalt  }
0x55: {  	_ =	shalt  }
0x56: {  	_ =	shalt  }
0x57: {  	_ =	shalt  }
0x58: {  	_ =	shalt  }
0x59: {  	_ =	shalt  }
0x5a: {  	_ =	shalt  }
0x5b: {  	_ =	shalt  }
0x5c: {  	_ =	shalt  }
0x5d: {  	_ =	shalt  }
0x5e: {  	_ =	shalt  }
0x5f: {  	_ =	shalt  }
0x60: {  	_ =	shalt  }
0x61: {  	_ =	shalt  }
0x62: {  	_ =	shalt  }
0x63: {  	_ =	shalt  }
0x64: {  	_ =	shalt  }
0x65: {  	_ =	shalt  }
0x66: {  	_ =	shalt  }
0x67: {  	_ =	shalt  }
0x68: {  	_ =	shalt  }
0x69: {  	_ =	shalt  }
0x6a: {  	_ =	shalt  }
0x6b: {  	_ =	shalt  }
0x6c: {  	_ =	shalt  }
0x6d: {  	_ =	shalt  }
0x6e: {  	_ =	shalt  }
0x6f: {  	_ =	shalt  }
0x70: {  	_ =	shalt  }
0x71: {  	_ =	shalt  }
0x72: {  	_ =	shalt  }
0x73: {  	_ =	shalt  }
0x74: {  	_ =	shalt  }
0x75: {  	_ =	shalt  }
0x76: {  	_ =	shalt  }
0x77: {  	_ =	shalt  }
0x78: {  	_ =	shalt  }
0x79: {  	_ =	shalt  }
0x7a: {  	_ =	shalt  }
0x7b: {  	_ =	shalt  }
0x7c: {  	_ =	shalt  }
0x7d: {  	_ =	shalt  }
0x7e: {  	_ =	shalt  }
0x7f: {  	_ =	shalt  }
0x80: {  	_ =	shalt  }
0x81: {  	_ =	shalt  }
0x82: {  	_ =	shalt  }
0x83: {  	_ =	shalt  }
0x84: {  	_ =	shalt  }
0x85: {  	_ =	shalt  }
0x86: {  	_ =	shalt  }
0x87: {  	_ =	shalt  }
.Lfunc_end0:
.L_simem_size_0:
called_computation_lowered:
.L_overlay_start_0:
0x88: {  	s2 =	sld [smem:$0x3FD9]  }
0x89: {  	s3 =	sld [smem:$0x3FFE];
	_ =	sdelay $0x1  }
0x8a: {  	s1 =	srdreg.scid  }
0x8b: {  	s0 =	sand.u32 $0x1, s1  }
0x8c: {  	s17 =	sshll.u32 s0, $0xA;
	s2 =	sadd.s32 s3, s2  }
0x8d: {  	s2 =	sadd.s32 s2, s17  }
0x8e: {  	[smem:$0x3FC5] =	sst s2  }
0x8f: {  	_ = 	snop  }
0x90: {  	s2 =	sld [smem:$0x3FC8];
	(tm) =	ssettm $0x1  }
0x91: {  	s18 =	sld [smem:$0x3FFB];
	_ =	sdelay $0x3  }
0x92: {  	_ =	strace s18  }
0x93: {  	s3 =	sld [smem:$0x3FFC];
	_ =	sdelay $0x3  }
0x94: {  	_ =	strace s3  }
0x95: {  	s3 =	sld [smem:$0x3FFD];
	_ =	sdelay $0x3  }
0x96: {  	_ =	strace s3  }
0x97: {  	_ =	strace $0x8FFFFFFF  }
0x98: {  	s19 =	sld [smem:$0x3FDB];
	_ =	sdelay $0x1  }
0x99: {  	s4 =	simm.s32 $_scs_section_size  }
0x9a: {  	s5 =	simm.s32 $_size__tile_overlayer_lowered;
	s6 =	simm.s32 $_tile_overlayer_lowered  }
0x9b: {  	s22 =	simm.s32 $0x1BFF;
	s21 =	sshll.u32 s6, $0x1;
	s3 =	sadd.s32 s4, s19  }
0x9c: {  	s7 =	simm.s32 $0x0;
	s20 =	sshll.u32 s5, $0x1;
	s5 =	sadd.s32 s21, s3  }
0x9d: {  	[timem:s7], [sflag:s22] =	dma.local [hbm:s5], s20  }
0x9e: {  	_ =	swait.ge [sflag:s22], s20  }
0x9f: {  	s4 =	ssub.s32 $0x0, s20;
	[sflag:s22] =	ssyncset.done $0x0  }
0xa0: {  	[sflag:s22] =	ssyncadd.s32 s4;
	_ =	sdelay $0x1  }
0xa1: {  	s23 =	simm.s32 $0x1B8B  }
0xa2: {  	_ =	swait.ge [sflag:s23], $0x1  }
0xa3: {  	[sflag:s23] =	ssyncset.done $0x0  }
0xa4: {  	s25 =	simm.s32 $0x1B8E;
	s24 =	sld [smem:$0x3FFE];
	[sflag:s23] =	ssyncadd.s32 $0xFFFFFFFF  }
0xa5: {  	s26 =	simm.s32 $execute0_lowered;
	[smem:$0x3FD2] =	sst s25  }
0xa6: {  	s5 =	sshll.u32 s26, $0x1;
	_ =	strace $0x80000046;
	[dreg:$0x1] =	wrdreg $0xFFFFFFFF  }
0xa7: {  	s28 =	simm.s32 $_size_execute0_lowered;
	s3 =	sadd.s32 s3, s5;
	[dreg:$0x0] =	wrdreg $0x0  }
0xa8: {  	s5 =	sshll.u32 s28, $0x1;
	[dreg:$0x2] =	wrdreg s3  }
0xa9: {  	[dreg:$0x3] =	wrdreg s5  }
0xaa: {  	[dreg:$0x4] =	wrdreg $0xC0  }
0xab: {  	_ =	task [dreg:s7], $0x5FFFF  }
0xac: {  	[dreg:$0x1] =	wrdreg $0xFFFFFFFF  }
0xad: {  	[dreg:$0x0] =	wrdreg $0x60  }
0xae: {  	[dreg:$0x2] =	wrdreg s24  }
0xaf: {  	[dreg:$0x3] =	wrdreg s2  }
0xb0: {  	[dreg:$0x4] =	wrdreg $0x9  }
0xb1: {  	_ =	task.clear_ibuf [dreg:s7], $0x5FFFF;
	_ =	strace $0x90000046  }
0xb2: {  	s29 =	simm.s32 $0x9;
	_ =	strace $0x80000048  }
0xb3: {  	_ =	swait.ge [sflag:s29], $0x1  }
0xb4: {  	[sflag:s29] =	ssyncadd.s32 $0xFFFFFFFF  }
0xb5: {  	_ =	strace $0x90000048  }
0xb6: {  	_ =	sfence  }
0xb7: {  	s30 =	sld [smem:$0x0];
	_ =	sdelay $0x2  }
0xb8: {  	s31 =	sshll.u32 s1, $0xD;
	s1 =	sshrl.u32 s1, $0x2  }
0xb9: {  	s3 =	sand.u32 $0x4000, s31;
	s1 =	sadd.s32 s1, s30  }
0xba: {  	s0 =	sor.u32 s3, s0;
	s1 =	sshll.u32 s1, $0x11  }
0xbb: {  	s0 =	sor.u32 s1, s0  }
0xbc: {  	s0 =	sadd.s32 $0x8F2B, s0  }
0xbd: {  	[sflag:s0] =	ssyncadd.remote.s32 $0x1  }
0xbe: {  	_ =	sfence.sel $0xFFFF  }
0xbf: {  	[dreg:$0x0] =	wrdreg $0xFFFFFFFF;
	(pc) =	sbr.abs _section_cstart, $3  }
0xc0: {  	[dreg:$0x1] =	wrdreg $0xFFFFFFFF  }
0xc1: {  	_ =	task.clear_ibuf [dreg:s7], $0x2FFFF;
	_ =	strace $0x9FFFFFFF  }
0xc2: {  	(tm) =	ssettm $0x7FFFFFFF  }
0xc3: {  	_ =	shalt  }
tec
execute0_lowered:
.L_overlay_start_1:
0x0: {  	(tag) =	ssettag $0x1  }
0x1: {  	s4 =	rddreg [dreg:$0x0]  }
0x2: {  	s5 =	rddreg [dreg:$0x1]  }
0x3: {  	s0 =	rddreg [dreg:$0x2]  }
0x4: {  	s3 =	srdreg.scid;
	s1 =	stileid.u32;
	s2 =	simm.s32 $0x0  }
0x5: {  	s11 =	simm.s32 $0x1;
	s12 =	simm.s32 $0x10200;
	s13 =	simm.s32 $0x0  }
0x6: {  	s6 =	sand.u32 $0x1, s3;
	s31 =	sshll.u32 s1, $0x1;
	[smem:$0x7FF] =	sst s2  }
0x7: {  	s7 =	sor.u32 s6, s31;
	_ =	strace $0x80000047;
	s6 =	ssub.s32 $0x2, s6  }
0x8: {  	s3 =	sshll.u32 s7, $0xC;
	s9 =	sshll.u32 s7, $0x1;
	s10 =	sshrl.u32 s6, $0x1  }
0x9: {  	v0 =	vlaneseq.u32;
	s7 =	sshll.u32 s7, $0x6;
	s8 =	sadd.s32 s3, s4;
	s3 =	sadd.s32 $0x186C00, s4  }
0xa: {  	v48 =	vmul.u32 $0x40, v0;
	s9 =	sadd.s32 s9, s4;
	s10 =	ssub.s32 s6, s10;
	s4 =	sadd.s32 s5, s7  }
0xb: {  	s5 =	sadd.s32 $0x200, s8;
	s6 =	sadd.s32 $0x20200, s9;
	s7 =	smax.u32 s10, $0x1  }
0xc: {  	[tilespmem:$0x1FFF0] =	vst v48;
	s8 =	simm.s32 $0x2;
	s9 =	simm.s32 $0x200;
	s10 =	simm.s32 $0x8200  }
.LBB2_1:
0xd: {  	[tilespmem:s2], [sflag:$0x2] =	stream.linear.gather [hbm4b:s4+s2], $0x200, $0x38;
	[tilespmem:$0x10210] =	vst v63  }
0xe: {  	_ =	swait.ge [sflag:s8], $0x200  }
0xf: {  	[sflag:s8] =	ssyncset.done $0x0  }
0x10: {  	[sflag:s8] =	ssyncadd.s32 $0xFFFFFE00  }
0x11: {  	[tilespmem:s10], [sflag:$0x1] =	stream.indirect.gather [hbm4b:s3+s9], $0x40, s2, s9, $0xb8;
	[tilespmem:$0x10210] =	vst v63  }
0x12: {  	_ = 	snop  }
0x13: {  	v0 =	vmov s2;
	[tilespmem:s9], [sflag:$0x2] =	stream.linear.gather [hbm4b:s5+s2], $0x8000, $0x38;
	[tilespmem:$0x10210] =	vst v63  }
0x14: {  	v0 =	vshll.u32 v0, $0x6;
	_ =	swait.ge [sflag:s8], $0x8000  }
0x15: {  	v1 =	vor.u32 v48, v0;
	[sflag:s8] =	ssyncset.done $0x0  }
0x16: {  	[sflag:s8] =	ssyncadd.s32 $0xFFFF8000  }
0x17: {  	v0 =	vor.u32 $0x1, v1;
	_ =	swait.ge [sflag:s11], $0x8000  }
0x18: {  	[sflag:s11] =	ssyncset.done $0x0  }
0x19: {  	v2 =	vor.u32 $0x2, v1;
	[sflag:s11] =	ssyncadd.s32 $0xFFFF8000  }
0x1a: {  	v3 =	vld.idx.msk [tilespmem:v1+s9+$0x0], $0xffff  }
0x1b: {  	v5 =	vor.u32 $0x3, v1;
	v4 =	vld.idx.msk [tilespmem:v1+s10+$0x0], $0xffff  }
0x1c: {  	v6 =	vld.idx.msk [tilespmem:v0+s9+$0x0], $0xffff  }
0x1d: {  	v7 =	vor.u32 $0x4, v1;
	v0 =	vld.idx.msk [tilespmem:v0+s10+$0x0], $0xffff  }
0x1e: {  	v8 =	vld.idx.msk [tilespmem:v2+s9+$0x0], $0xffff  }
0x1f: {  	v9 =	vor.u32 $0x5, v1;
	v2 =	vld.idx.msk [tilespmem:v2+s10+$0x0], $0xffff  }
0x20: {  	v56 =	vor.u32 $0x6, v1;
	v10 =	vld.idx.msk [tilespmem:v5+s9+$0x0], $0xffff  }
0x21: {  	v11 =	vld.idx.msk [tilespmem:v5+s10+$0x0], $0xffff  }
0x22: {  	v17 =	vor.u32 $0x7, v1;
	v14 =	vld.idx.msk [tilespmem:v7+s9+$0x0], $0xffff  }
0x23: {  	v18 =	vld.idx.msk [tilespmem:v7+s10+$0x0], $0xffff  }
0x24: {  	v60 =	vor.u32 $0x8, v1;
	v19 =	vld.idx.msk [tilespmem:v9+s10+$0x0], $0xffff  }
0x25: {  	v20 =	vld.idx.msk [tilespmem:v56+s9+$0x0], $0xffff  }
0x26: {  	v63 =	vor.u32 $0x9, v1;
	v21 =	vld.idx.msk [tilespmem:v56+s10+$0x0], $0xffff  }
0x27: {  	v22 =	vld.idx.msk [tilespmem:v17+s9+$0x0], $0xffff  }
0x28: {  	v23 =	vor.u32 $0xA, v1;
	v17 =	vld.idx.msk [tilespmem:v17+s10+$0x0], $0xffff  }
0x29: {  	v24 =	vld.idx.msk [tilespmem:v60+s9+$0x0], $0xffff;
	v12 =	vmul.f32 v3, v3;
	v13 =	vmul.f32 v6, v6  }
0x2a: {  	v25 =	vld.idx.msk [tilespmem:v60+s10+$0x0], $0xffff;
	v15 =	vmul.f32 v4, v4;
	v16 =	vmul.f32 v0, v0  }
0x2b: {  	v36 =	vor.u32 $0xB, v1;
	v26 =	vld.idx.msk [tilespmem:v63+s9+$0x0], $0xffff;
	v58 =	vmul.f32 v8, v8;
	v59 =	vmul.f32 v2, v2  }
0x2c: {  	v39 =	vor.u32 $0xC, v1;
	v27 =	vld.idx.msk [tilespmem:v63+s10+$0x0], $0xffff;
	v61 =	vmul.f32 v10, v10;
	v62 =	vmul.f32 v11, v11  }
0x2d: {  	v29 =	vor.u32 $0xD, v1;
	v28 =	vld.idx.msk [tilespmem:v23+s9+$0x0], $0xffff;
	v32 =	vmul.f32 v14, v14;
	v33 =	vmul.f32 v18, v18  }
0x2e: {  	v23 =	vld.idx.msk [tilespmem:v23+s10+$0x0], $0xffff;
	v35 =	vmul.f32 v19, v19;
	v37 =	vmul.f32 v20, v20;
	v57 =	vadd.f32 v13, v12  }
0x2f: {  	v44 =	vor.u32 $0xE, v1;
	v38 =	vmul.f32 v21, v21;
	v40 =	vmul.f32 v22, v22;
	v13 =	vld.idx.msk [tilespmem:v9+s9+$0x0], $0xffff  }
0x30: {  	v31 =	vld.idx.msk [tilespmem:v36+s10+$0x0], $0xffff;
	v41 =	vmul.f32 v17, v17;
	v15 =	vadd.f32 v16, v15;
	v7 =	vadd.f32 v58, v57  }
0x31: {  	v50 =	vor.u32 $0xF, v1;
	v42 =	vmul.f32 v24, v24;
	v43 =	vmul.f32 v25, v25  }
0x32: {  	v45 =	vmul.f32 v26, v26;
	v15 =	vadd.f32 v59, v15;
	v7 =	vadd.f32 v61, v7  }
0x33: {  	v55 =	vor.u32 $0x12, v1;
	v46 =	vmul.f32 v27, v27;
	v49 =	vmul.f32 v28, v28  }
0x34: {  	v15 =	vadd.f32 v62, v15;
	v34 =	vmul.f32 v13, v13;
	v7 =	vadd.f32 v32, v7  }
0x35: {  	v30 =	vld.idx.msk [tilespmem:v36+s9+$0x0], $0xffff;
	v36 =	vor.u32 $0x10, v1;
	v51 =	vmul.f32 v23, v23;
	v52 =	vmul.f32 v31, v31  }
0x36: {  	v3 =	vmul.f32 v4, v3;
	v15 =	vadd.f32 v33, v15;
	v7 =	vadd.f32 v34, v7  }
0x37: {  	v5 =	vld.idx.msk [tilespmem:v44+s9+$0x0], $0xffff;
	v63 =	vor.u32 $0x13, v1;
	v2 =	vmul.f32 v2, v8;
	v10 =	vmul.f32 v11, v10  }
0x38: {  	v17 =	vmul.f32 v17, v22;
	v32 =	vld.idx.msk [tilespmem:v39+s9+$0x0], $0xffff;
	v15 =	vadd.f32 v35, v15;
	v7 =	vadd.f32 v37, v7  }
0x39: {  	v24 =	vmul.f32 v25, v24;
	v25 =	vor.u32 $0x19, v1;
	v23 =	vmul.f32 v23, v28;
	v33 =	vld.idx.msk [tilespmem:v39+s10+$0x0], $0xffff  }
0x3a: {  	v28 =	vor.u32 $0x1B, v1;
	v39 =	vld.idx.msk [tilespmem:v44+s10+$0x0], $0xffff;
	v15 =	vadd.f32 v38, v15;
	v7 =	vadd.f32 v40, v7  }
0x3b: {  	v3 =	vadd.f32 $0.0e+00, v3;
	v58 =	vmul.f32 v0, v6;
	v34 =	vld.idx.msk [tilespmem:v29+s9+$0x0], $0xffff;
	v37 =	vor.u32 $0x11, v1  }
0x3c: {  	v62 =	vmul.f32 v5, v5;
	v29 =	vld.idx.msk [tilespmem:v29+s10+$0x0], $0xffff;
	v15 =	vadd.f32 v41, v15;
	v7 =	vadd.f32 v42, v7  }
0x3d: {  	v8 =	vld.idx.msk [tilespmem:v55+s9+$0x0], $0xffff;
	v3 =	vadd.f32 v58, v3;
	v13 =	vmul.f32 v19, v13;
	v35 =	vmul.f32 v30, v30  }
0x3e: {  	v6 =	vld.idx.msk [tilespmem:v36+s9+$0x0], $0xffff;
	v38 =	vmul.f32 v32, v32;
	v15 =	vadd.f32 v43, v15;
	v47 =	vadd.f32 v45, v7  }
0x3f: {  	v36 =	vld.idx.msk [tilespmem:v36+s10+$0x0], $0xffff;
	v2 =	vadd.f32 v2, v3;
	v54 =	vmul.f32 v33, v33;
	v32 =	vmul.f32 v33, v32  }
0x40: {  	v41 =	vmul.f32 v39, v39;
	v16 =	vld.idx.msk [tilespmem:v37+s10+$0x0], $0xffff;
	v15 =	vadd.f32 v46, v15;
	v7 =	vadd.f32 v49, v47  }
0x41: {  	v57 =	vmul.f32 v34, v34;
	v60 =	vmul.f32 v29, v29;
	v43 =	vor.u32 $0x14, v1;
	v0 =	vld.idx.msk [tilespmem:v37+s9+$0x0], $0xffff  }
0x42: {  	v15 =	vadd.f32 v51, v15;
	v49 =	vmul.f32 v18, v14;
	v18 =	vld.idx.msk [tilespmem:v55+s10+$0x0], $0xffff;
	v35 =	vadd.f32 v35, v7  }
0x43: {  	v10 =	vadd.f32 v10, v2;
	v29 =	vmul.f32 v29, v34;
	v47 =	vmul.f32 v6, v6;
	v7 =	vld.idx.msk [tilespmem:v50+s9+$0x0], $0xffff  }
0x44: {  	v53 =	vadd.f32 v52, v15;
	v56 =	vadd.f32 v38, v35;
	v38 =	vld.idx.msk [tilespmem:v50+s10+$0x0], $0xffff;
	v50 =	vor.u32 $0x15, v1  }
0x45: {  	v52 =	vmul.f32 v36, v36;
	v10 =	vadd.f32 v49, v10;
	v55 =	vmul.f32 v16, v16  }
0x46: {  	v2 =	vld.idx.msk [tilespmem:v43+s9+$0x0], $0xffff;
	v36 =	vmul.f32 v36, v6;
	v59 =	vadd.f32 v54, v53;
	v54 =	vor.u32 $0x16, v1  }
0x47: {  	v16 =	vmul.f32 v16, v0;
	v53 =	vmul.f32 v0, v0;
	v35 =	vld.idx.msk [tilespmem:v63+s10+$0x0], $0xffff;
	v13 =	vadd.f32 v13, v10  }
0x48: {  	v58 =	vmul.f32 v18, v18;
	v61 =	vadd.f32 v57, v56;
	v57 =	vmul.f32 v21, v20;
	v21 =	vld.idx.msk [tilespmem:v43+s10+$0x0], $0xffff  }
0x49: {  	v18 =	vmul.f32 v18, v8;
	v40 =	vadd.f32 v60, v59;
	v56 =	vor.u32 $0x17, v1;
	v10 =	vld.idx.msk [tilespmem:v50+s9+$0x0], $0xffff  }
0x4a: {  	v20 =	vmul.f32 v8, v8;
	v44 =	vmul.f32 v7, v7;
	v42 =	vadd.f32 v62, v61;
	v22 =	vld.idx.msk [tilespmem:v50+s10+$0x0], $0xffff  }
0x4b: {  	v9 =	vadd.f32 v41, v40;
	v13 =	vadd.f32 v57, v13;
	v45 =	vmul.f32 v38, v38;
	v11 =	vld.idx.msk [tilespmem:v54+s9+$0x0], $0xffff  }
0x4c: {  	v62 =	vmul.f32 v2, v2;
	v41 =	vor.u32 $0x1A, v1;
	v57 =	vor.u32 $0x22, v1;
	v19 =	vld.idx.msk [tilespmem:v54+s10+$0x0], $0xffff  }
0x4d: {  	v46 =	vadd.f32 v44, v42;
	v51 =	vadd.f32 v45, v9;
	v9 =	vld.idx.msk [tilespmem:v63+s9+$0x0], $0xffff;
	v45 =	vor.u32 $0x1D, v1  }
0x4e: {  	v60 =	vmul.f32 v35, v35;
	v42 =	vmul.f32 v27, v26;
	v63 =	vadd.f32 v17, v13;
	v27 =	vld.idx.msk [tilespmem:v56+s10+$0x0], $0xffff  }
0x4f: {  	v50 =	vmul.f32 v39, v5;
	v40 =	vmul.f32 v21, v21;
	v13 =	vld.idx.msk [tilespmem:v25+s9+$0x0], $0xffff;
	v3 =	vadd.f32 v47, v46  }
0x50: {  	v25 =	vld.idx.msk [tilespmem:v25+s10+$0x0], $0xffff;
	v21 =	vmul.f32 v21, v2;
	v4 =	vadd.f32 v52, v51;
	v24 =	vadd.f32 v24, v63  }
0x51: {  	v51 =	vor.u32 $0x1F, v1;
	v52 =	vmul.f32 v38, v7;
	v33 =	vld.idx.msk [tilespmem:v57+s10+$0x0], $0xffff;
	v3 =	vadd.f32 v53, v3  }
0x52: {  	v26 =	vmul.f32 v10, v10;
	v43 =	vmul.f32 v22, v22;
	v4 =	vadd.f32 v55, v4;
	v5 =	vld.idx.msk [tilespmem:v45+s9+$0x0], $0xffff  }
0x53: {  	v3 =	vadd.f32 v20, v3;
	v59 =	vmul.f32 v9, v9;
	v20 =	vor.u32 $0x18, v1;
	v37 =	vld.idx.msk [tilespmem:v45+s10+$0x0], $0xffff  }
0x54: {  	v44 =	vmul.f32 v19, v19;
	v35 =	vmul.f32 v35, v9;
	v9 =	vld.idx.msk [tilespmem:v57+s9+$0x0], $0xffff;
	v4 =	vadd.f32 v58, v4  }
0x55: {  	v22 =	vmul.f32 v22, v10;
	v55 =	vor.u32 $0x21, v1;
	v61 =	vadd.f32 v59, v3;
	v3 =	vld.idx.msk [tilespmem:v56+s9+$0x0], $0xffff  }
0x56: {  	v19 =	vmul.f32 v19, v11;
	v17 =	vadd.f32 v42, v24;
	v6 =	vld.idx.msk [tilespmem:v51+s9+$0x0], $0xffff;
	v4 =	vadd.f32 v60, v4  }
0x57: {  	v42 =	vor.u32 $0x26, v1;
	v49 =	vmul.f32 v25, v25;
	v34 =	vld.idx.msk [tilespmem:v51+s10+$0x0], $0xffff;
	v14 =	vadd.f32 v62, v61  }
0x58: {  	v45 =	vor.u32 $0x27, v1;
	v25 =	vmul.f32 v25, v13;
	v4 =	vadd.f32 v40, v4;
	v12 =	vld.idx.msk [tilespmem:v20+s9+$0x0], $0xffff  }
0x59: {  	v57 =	vor.u32 $0x30, v1;
	v20 =	vld.idx.msk [tilespmem:v20+s10+$0x0], $0xffff;
	v14 =	vadd.f32 v26, v14;
	v26 =	vmul.f32 v11, v11  }
0x5a: {  	v17 =	vadd.f32 v23, v17;
	v8 =	vld.idx.msk [tilespmem:v55+s9+$0x0], $0xffff;
	v4 =	vadd.f32 v43, v4;
	v24 =	vmul.f32 v3, v3  }
0x5b: {  	v40 =	vld.idx.msk [tilespmem:v41+s10+$0x0], $0xffff;
	v14 =	vadd.f32 v26, v14;
	v26 =	vmul.f32 v31, v30;
	v30 =	vor.u32 $0x1C, v1  }
0x5c: {  	v23 =	vmul.f32 v27, v27;
	v58 =	vor.u32 $0x23, v1;
	v31 =	vadd.f32 v44, v4;
	v4 =	vld.idx.msk [tilespmem:v41+s9+$0x0], $0xffff  }
0x5d: {  	v24 =	vadd.f32 v24, v14;
	v46 =	vmul.f32 v12, v12;
	v17 =	vadd.f32 v26, v17;
	v14 =	vld.idx.msk [tilespmem:v28+s9+$0x0], $0xffff  }
0x5e: {  	v38 =	vld.idx.msk [tilespmem:v55+s10+$0x0], $0xffff;
	v26 =	vmul.f32 v13, v13;
	v47 =	vadd.f32 v23, v31;
	v23 =	vmul.f32 v20, v20  }
0x5f: {  	v28 =	vld.idx.msk [tilespmem:v28+s10+$0x0], $0xffff;
	v31 =	vor.u32 $0x1E, v1;
	v24 =	vadd.f32 v46, v24;
	v17 =	vadd.f32 v32, v17  }
0x60: {  	v51 =	vor.u32 $0x2B, v1;
	v61 =	vor.u32 $0x24, v1;
	v23 =	vadd.f32 v23, v47;
	v15 =	vld.idx.msk [tilespmem:v30+s9+$0x0], $0xffff  }
0x61: {  	v30 =	vld.idx.msk [tilespmem:v30+s10+$0x0], $0xffff;
	v24 =	vadd.f32 v26, v24;
	v26 =	vmul.f32 v4, v4;
	v17 =	vadd.f32 v29, v17  }
0x62: {  	v63 =	vld.idx.msk [tilespmem:v58+s9+$0x0], $0xffff;
	v29 =	vmul.f32 v40, v40;
	v23 =	vadd.f32 v49, v23;
	v53 =	vmul.f32 v14, v14  }
0x63: {  	v32 =	vld.idx.msk [tilespmem:v58+s10+$0x0], $0xffff;
	v24 =	vadd.f32 v26, v24;
	v26 =	vor.u32 $0x20, v1;
	v17 =	vadd.f32 v50, v17  }
0x64: {  	v55 =	vor.u32 $0x2E, v1;
	v7 =	vld.idx.msk [tilespmem:v31+s9+$0x0], $0xffff;
	v23 =	vadd.f32 v29, v23;
	v29 =	vmul.f32 v28, v28  }
0x65: {  	v31 =	vld.idx.msk [tilespmem:v31+s10+$0x0], $0xffff;
	v24 =	vadd.f32 v53, v24;
	v54 =	vmul.f32 v15, v15;
	v17 =	vadd.f32 v52, v17  }
0x66: {  	v56 =	vmul.f32 v5, v5;
	v44 =	vld.idx.msk [tilespmem:v61+s9+$0x0], $0xffff;
	v23 =	vadd.f32 v29, v23;
	v29 =	vmul.f32 v30, v30  }
0x67: {  	v43 =	vmul.f32 v8, v8;
	v24 =	vadd.f32 v54, v24;
	v17 =	vadd.f32 v36, v17;
	v36 =	vld.idx.msk [tilespmem:v61+s10+$0x0], $0xffff  }
0x68: {  	v20 =	vmul.f32 v20, v12;
	v23 =	vadd.f32 v29, v23;
	v0 =	vld.idx.msk [tilespmem:v26+s9+$0x0], $0xffff;
	v29 =	vmul.f32 v37, v37  }
0x69: {  	v49 =	vmul.f32 v32, v32;
	v59 =	vmul.f32 v7, v7;
	v24 =	vadd.f32 v56, v24  }
0x6a: {  	v26 =	vld.idx.msk [tilespmem:v26+s10+$0x0], $0xffff;
	v16 =	vadd.f32 v16, v17;
	v23 =	vadd.f32 v29, v23;
	v29 =	vmul.f32 v31, v31  }
0x6b: {  	v32 =	vmul.f32 v32, v63;
	v60 =	vadd.f32 v59, v24;
	v24 =	vmul.f32 v6, v6  }
0x6c: {  	v16 =	vadd.f32 v18, v16;
	v23 =	vadd.f32 v29, v23;
	v29 =	vmul.f32 v34, v34  }
0x6d: {  	v47 =	vld.idx.msk [tilespmem:v42+s9+$0x0], $0xffff;
	v10 =	vmul.f32 v36, v44;
	v17 =	vadd.f32 v24, v60;
	v62 =	vmul.f32 v0, v0  }
0x6e: {  	v18 =	vld.idx.msk [tilespmem:v42+s10+$0x0], $0xffff;
	v24 =	vor.u32 $0x25, v1;
	v16 =	vadd.f32 v35, v16;
	v23 =	vadd.f32 v29, v23  }
0x6f: {  	v50 =	vld.idx.msk [tilespmem:v45+s9+$0x0], $0xffff;
	v29 =	vmul.f32 v26, v26;
	v26 =	vmul.f32 v26, v0;
	v17 =	vadd.f32 v62, v17  }
0x70: {  	v35 =	vld.idx.msk [tilespmem:v45+s10+$0x0], $0xffff;
	v16 =	vadd.f32 v21, v16;
	v21 =	vmul.f32 v9, v9;
	v9 =	vmul.f32 v33, v9  }
0x71: {  	v62 =	vor.u32 $0x33, v1;
	v23 =	vadd.f32 v29, v23;
	v29 =	vmul.f32 v38, v38  }
0x72: {  	v17 =	vadd.f32 v43, v17;
	v16 =	vadd.f32 v22, v16;
	v22 =	vmul.f32 v27, v3  }
0x73: {  	v27 =	vor.u32 $0x28, v1;
	v3 =	vmul.f32 v18, v47;
	v23 =	vadd.f32 v29, v23  }
0x74: {  	v29 =	vmul.f32 v33, v33;
	v46 =	vld.idx.msk [tilespmem:v24+s9+$0x0], $0xffff;
	v17 =	vadd.f32 v21, v17;
	v21 =	vmul.f32 v63, v63  }
0x75: {  	v43 =	vor.u32 $0x37, v1;
	v24 =	vld.idx.msk [tilespmem:v24+s10+$0x0], $0xffff;
	v12 =	vmul.f32 v35, v50;
	v16 =	vadd.f32 v19, v16  }
0x76: {  	v23 =	vadd.f32 v29, v23;
	v29 =	vmul.f32 v44, v44;
	v17 =	vadd.f32 v21, v17  }
0x77: {  	v63 =	vor.u32 $0x34, v1;
	v21 =	vor.u32 $0x29, v1;
	v16 =	vadd.f32 v22, v16  }
0x78: {  	v33 =	vld.idx.msk [tilespmem:v62+s10+$0x0], $0xffff;
	v19 =	vadd.f32 v49, v23;
	v23 =	vmul.f32 v36, v36;
	v17 =	vadd.f32 v29, v17  }
0x79: {  	v13 =	vld.idx.msk [tilespmem:v27+s9+$0x0], $0xffff;
	v22 =	vmul.f32 v46, v46;
	v29 =	vor.u32 $0x2A, v1;
	v16 =	vadd.f32 v20, v16  }
0x7a: {  	v27 =	vld.idx.msk [tilespmem:v27+s10+$0x0], $0xffff;
	v20 =	vmul.f32 v47, v47;
	v11 =	vmul.f32 v24, v46;
	v19 =	vadd.f32 v23, v19  }
0x7b: {  	v23 =	vmul.f32 v24, v24;
	v24 =	vor.u32 $0x36, v1;
	v17 =	vadd.f32 v22, v17  }
0x7c: {  	v39 =	vld.idx.msk [tilespmem:v51+s10+$0x0], $0xffff;
	v22 =	vmul.f32 v40, v4;
	v16 =	vadd.f32 v25, v16;
	v25 =	vmul.f32 v28, v14  }
0x7d: {  	v36 =	vld.idx.msk [tilespmem:v63+s10+$0x0], $0xffff;
	v28 =	vmul.f32 v50, v50;
	v49 =	vmul.f32 v33, v33;
	v19 =	vadd.f32 v23, v19  }
0x7e: {  	v52 =	vld.idx.msk [tilespmem:v21+s9+$0x0], $0xffff;
	v23 =	vmul.f32 v18, v18;
	v17 =	vadd.f32 v20, v17;
	v20 =	vor.u32 $0x2C, v1  }
0x7f: {  	v54 =	vld.idx.msk [tilespmem:v51+s9+$0x0], $0xffff;
	v16 =	vadd.f32 v22, v16;
	v22 =	vmul.f32 v13, v13;
	v13 =	vmul.f32 v27, v13  }
0x80: {  	v21 =	vld.idx.msk [tilespmem:v21+s10+$0x0], $0xffff;
	v19 =	vadd.f32 v23, v19;
	v23 =	vmul.f32 v35, v35;
	v17 =	vadd.f32 v28, v17  }
0x81: {  	v53 =	vld.idx.msk [tilespmem:v29+s9+$0x0], $0xffff;
	v28 =	vmul.f32 v30, v15;
	v30 =	vor.u32 $0x2D, v1;
	v16 =	vadd.f32 v25, v16  }
0x82: {  	v29 =	vld.idx.msk [tilespmem:v29+s10+$0x0], $0xffff;
	v25 =	vmul.f32 v37, v5;
	v51 =	vmul.f32 v36, v36;
	v19 =	vadd.f32 v23, v19  }
0x83: {  	v23 =	vmul.f32 v27, v27;
	v17 =	vadd.f32 v22, v17;
	v22 =	vmul.f32 v52, v52  }
0x84: {  	v58 =	vld.idx.msk [tilespmem:v55+s9+$0x0], $0xffff;
	v15 =	vmul.f32 v39, v54;
	v16 =	vadd.f32 v28, v16;
	v28 =	vmul.f32 v31, v7  }
0x85: {  	v19 =	vadd.f32 v23, v19;
	v56 =	vld.idx.msk [tilespmem:v20+s9+$0x0], $0xffff;
	v23 =	vmul.f32 v21, v21;
	v17 =	vadd.f32 v22, v17  }
0x86: {  	v20 =	vld.idx.msk [tilespmem:v20+s10+$0x0], $0xffff;
	v22 =	vor.u32 $0x2F, v1;
	v31 =	vmul.f32 v53, v53;
	v16 =	vadd.f32 v25, v16  }
0x87: {  	v25 =	vmul.f32 v54, v54;
	v19 =	vadd.f32 v23, v19;
	v23 =	vmul.f32 v29, v29;
	v7 =	vld.idx.msk [tilespmem:v30+s9+$0x0], $0xffff  }
0x88: {  	v30 =	vld.idx.msk [tilespmem:v30+s10+$0x0], $0xffff;
	v17 =	vadd.f32 v31, v17;
	v31 =	vmul.f32 v34, v6;
	v16 =	vadd.f32 v28, v16  }
0x89: {  	v61 =	vld.idx.msk [tilespmem:v57+s9+$0x0], $0xffff;
	v28 =	vor.u32 $0x31, v1;
	v19 =	vadd.f32 v23, v19;
	v23 =	vmul.f32 v39, v39  }
0x8a: {  	v37 =	vld.idx.msk [tilespmem:v55+s10+$0x0], $0xffff;
	v17 =	vadd.f32 v25, v17;
	v25 =	vmul.f32 v56, v56;
	v16 =	vadd.f32 v31, v16  }
0x8b: {  	v31 =	vmul.f32 v38, v8;
	v19 =	vadd.f32 v23, v19;
	v59 =	vld.idx.msk [tilespmem:v22+s9+$0x0], $0xffff;
	v23 =	vmul.f32 v20, v20  }
0x8c: {  	v22 =	vld.idx.msk [tilespmem:v22+s10+$0x0], $0xffff;
	v17 =	vadd.f32 v25, v17;
	v25 =	vor.u32 $0x32, v1;
	v60 =	vmul.f32 v7, v7  }
0x8d: {  	v18 =	vld.idx.msk [tilespmem:v43+s10+$0x0], $0xffff;
	v16 =	vadd.f32 v26, v16;
	v19 =	vadd.f32 v23, v19;
	v23 =	vmul.f32 v30, v30  }
0x8e: {  	v27 =	vor.u32 $0x39, v1;
	v34 =	vld.idx.msk [tilespmem:v57+s10+$0x0], $0xffff;
	v26 =	vmul.f32 v58, v58;
	v17 =	vadd.f32 v60, v17  }
0x8f: {  	v16 =	vadd.f32 v31, v16;
	v31 =	vld.idx.msk [tilespmem:v28+s9+$0x0], $0xffff;
	v19 =	vadd.f32 v23, v19;
	v23 =	vmul.f32 v37, v37  }
0x90: {  	v4 =	vmul.f32 v21, v52;
	v28 =	vld.idx.msk [tilespmem:v28+s10+$0x0], $0xffff;
	v17 =	vadd.f32 v26, v17;
	v26 =	vmul.f32 v59, v59  }
0x91: {  	v9 =	vadd.f32 v9, v16;
	v40 =	vmul.f32 v22, v22;
	v19 =	vadd.f32 v23, v19;
	v2 =	vld.idx.msk [tilespmem:v25+s9+$0x0], $0xffff  }
0x92: {  	v23 =	vor.u32 $0x35, v1;
	v25 =	vld.idx.msk [tilespmem:v25+s10+$0x0], $0xffff;
	v17 =	vadd.f32 v26, v17;
	v26 =	vmul.f32 v61, v61  }
0x93: {  	v41 =	vmul.f32 v34, v34;
	v9 =	vadd.f32 v32, v9;
	v32 =	vld.idx.msk [tilespmem:v62+s9+$0x0], $0xffff;
	v16 =	vadd.f32 v40, v19  }
0x94: {  	v55 =	vmul.f32 v18, v18;
	v17 =	vadd.f32 v26, v17;
	v26 =	vmul.f32 v31, v31  }
0x95: {  	v42 =	vmul.f32 v28, v28;
	v9 =	vadd.f32 v10, v9;
	v10 =	vld.idx.msk [tilespmem:v63+s9+$0x0], $0xffff;
	v16 =	vadd.f32 v41, v16  }
0x96: {  	v50 =	vld.idx.msk [tilespmem:v24+s9+$0x0], $0xffff;
	v54 =	vor.u32 $0x3C, v1;
	v17 =	vadd.f32 v26, v17;
	v26 =	vmul.f32 v2, v2  }
0x97: {  	v44 =	vld.idx.msk [tilespmem:v23+s9+$0x0], $0xffff;
	v9 =	vadd.f32 v11, v9;
	v45 =	vmul.f32 v25, v25;
	v16 =	vadd.f32 v42, v16  }
0x98: {  	v47 =	vld.idx.msk [tilespmem:v23+s10+$0x0], $0xffff;
	v46 =	vmul.f32 v32, v32;
	v17 =	vadd.f32 v26, v17;
	v26 =	vor.u32 $0x38, v1  }
0x99: {  	v24 =	vld.idx.msk [tilespmem:v24+s10+$0x0], $0xffff;
	v21 =	vor.u32 $0x3A, v1;
	v3 =	vadd.f32 v3, v9;
	v11 =	vadd.f32 v45, v16  }
0x9a: {  	v14 =	vmul.f32 v29, v53;
	v23 =	vmul.f32 v10, v10;
	v17 =	vadd.f32 v46, v17  }
0x9b: {  	v29 =	vmul.f32 v50, v50;
	v3 =	vadd.f32 v12, v3;
	v12 =	vld.idx.msk [tilespmem:v43+s9+$0x0], $0xffff;
	v11 =	vadd.f32 v49, v11  }
0x9c: {  	v7 =	vmul.f32 v30, v7;
	v30 =	vld.idx.msk [tilespmem:v54+s10+$0x0], $0xffff;
	v17 =	vadd.f32 v23, v17;
	v23 =	vmul.f32 v44, v44  }
0x9d: {  	v52 =	vmul.f32 v47, v47;
	v3 =	vadd.f32 v13, v3;
	v11 =	vadd.f32 v51, v11;
	v16 =	vld.idx.msk [tilespmem:v26+s9+$0x0], $0xffff  }
0x9e: {  	v53 =	vmul.f32 v24, v24;
	v26 =	vld.idx.msk [tilespmem:v26+s10+$0x0], $0xffff;
	v17 =	vadd.f32 v23, v17;
	v23 =	vor.u32 $0x3B, v1  }
0x9f: {  	v6 =	vmul.f32 v37, v58;
	v3 =	vadd.f32 v4, v3;
	v4 =	vld.idx.msk [tilespmem:v27+s9+$0x0], $0xffff;
	v11 =	vadd.f32 v52, v11  }
0xa0: {  	v5 =	vmul.f32 v20, v56;
	v27 =	vld.idx.msk [tilespmem:v27+s10+$0x0], $0xffff;
	v17 =	vadd.f32 v29, v17;
	v29 =	vmul.f32 v12, v12  }
0xa1: {  	v20 =	vor.u32 $0x3D, v1;
	v3 =	vadd.f32 v14, v3;
	v14 =	vld.idx.msk [tilespmem:v21+s9+$0x0], $0xffff;
	v11 =	vadd.f32 v53, v11  }
0xa2: {  	v8 =	vmul.f32 v34, v61;
	v21 =	vld.idx.msk [tilespmem:v21+s10+$0x0], $0xffff;
	v17 =	vadd.f32 v29, v17;
	v29 =	vmul.f32 v16, v16  }
0xa3: {  	v3 =	vadd.f32 v15, v3;
	v56 =	vmul.f32 v26, v26;
	v11 =	vadd.f32 v55, v11;
	v13 =	vld.idx.msk [tilespmem:v23+s9+$0x0], $0xffff  }
0xa4: {  	v39 =	vld.idx.msk [tilespmem:v23+s10+$0x0], $0xffff;
	v23 =	vmul.f32 v4, v4;
	v17 =	vadd.f32 v29, v17;
	v29 =	vor.u32 $0x3E, v1  }
0xa5: {  	v15 =	vld.idx.msk [tilespmem:v54+s9+$0x0], $0xffff;
	v57 =	vmul.f32 v27, v27;
	v3 =	vadd.f32 v5, v3;
	v11 =	vadd.f32 v56, v11  }
0xa6: {  	v35 =	vld.idx.msk [tilespmem:v20+s9+$0x0], $0xffff;
	v1 =	vor.u32 $0x3F, v1;
	v17 =	vadd.f32 v23, v17;
	v23 =	vmul.f32 v14, v14  }
0xa7: {  	v0 =	vmul.f32 v22, v59;
	v58 =	vmul.f32 v21, v21;
	v5 =	vadd.f32 v57, v11  }
0xa8: {  	v3 =	vadd.f32 v7, v3;
	v7 =	vld.idx.msk [tilespmem:v20+s10+$0x0], $0xffff;
	v17 =	vadd.f32 v23, v17;
	v20 =	vmul.f32 v13, v13  }
0xa9: {  	v60 =	vmul.f32 v30, v30;
	v59 =	vmul.f32 v39, v39;
	v37 =	vld.idx.msk [tilespmem:v29+s9+$0x0], $0xffff;
	v5 =	vadd.f32 v58, v5  }
0xaa: {  	v3 =	vadd.f32 v6, v3;
	v6 =	vld.idx.msk [tilespmem:v29+s10+$0x0], $0xffff;
	v17 =	vadd.f32 v20, v17;
	v20 =	vmul.f32 v15, v15  }
0xab: {  	v62 =	vmul.f32 v35, v35;
	v2 =	vmul.f32 v25, v2;
	v29 =	vld.idx.msk [tilespmem:v1+s9+$0x0], $0xffff;
	v5 =	vadd.f32 v59, v5  }
0xac: {  	v42 =	vmul.f32 v33, v32;
	v1 =	vld.idx.msk [tilespmem:v1+s10+$0x0], $0xffff;
	v0 =	vadd.f32 v0, v3;
	v61 =	vadd.f32 v20, v17  }
0xad: {  	v63 =	vmul.f32 v7, v7;
	v20 =	vmul.f32 v28, v31;
	v5 =	vadd.f32 v60, v5  }
0xae: {  	v0 =	vadd.f32 v8, v0;
	v3 =	vadd.f32 v62, v61;
	v17 =	vmul.f32 v37, v37  }
0xaf: {  	v9 =	vmul.f32 v24, v50;
	v34 =	vmul.f32 v6, v6;
	v5 =	vadd.f32 v63, v5  }
0xb0: {  	v0 =	vadd.f32 v20, v0;
	v40 =	vmul.f32 v29, v29;
	v3 =	vadd.f32 v17, v3  }
0xb1: {  	v45 =	vmul.f32 v36, v10;
	v41 =	vmul.f32 v1, v1;
	v5 =	vadd.f32 v34, v5  }
0xb2: {  	v44 =	vmul.f32 v47, v44;
	v0 =	vadd.f32 v2, v0;
	v22 =	vadd.f32 v40, v3  }
0xb3: {  	v4 =	vmul.f32 v27, v4;
	v36 =	vmul.f32 v39, v13;
	v23 =	vadd.f32 v41, v5  }
0xb4: {  	v39 =	vmul.f32 v30, v15;
	v0 =	vadd.f32 v42, v0;
	v8 =	vshra.s32 v22, $0x1  }
0xb5: {  	v46 =	vmul.f32 $5.000000000e-01, v22;
	v11 =	vshra.s32 v23, $0x1;
	v47 =	vmul.f32 $5.000000000e-01, v23  }
0xb6: {  	v0 =	vadd.f32 v45, v0;
	v59 =	vsub.s32 $0x5F3759DF, v8;
	v60 =	vsub.s32 $0x5F3759DF, v11  }
0xb7: {  	v61 =	vmul.f32 v59, v46;
	v62 =	vmul.f32 v60, v47  }
0xb8: {  	s14 =	simm.s32 $0x10;
	v28 =	vmul.f32 v1, v29;
	v17 =	vmul.f32 v18, v12;
	v0 =	vadd.f32 v44, v0  }
0xb9: {  	v43 =	vmov s14;
	v63 =	vmul.f32 v59, v61;
	v5 =	vmul.f32 v60, v62  }
0xba: {  	v18 =	vmul.f32 v26, v16;
	v3 =	vshll.u32 v43, $0x6;
	v0 =	vadd.f32 v9, v0  }
0xbb: {  	v24 =	vor.u32 v48, v3;
	v3 =	vsub.f32 $1.500000000e+00, v63;
	v5 =	vsub.f32 $1.500000000e+00, v5  }
0xbc: {  	v34 =	vmul.f32 v21, v14;
	v41 =	vmul.f32 v7, v35;
	v0 =	vadd.f32 v17, v0  }
0xbd: {  	v49 =	vimm.f32 $0.0e+00;
	v2 =	vmul.f32 v59, v3;
	v32 =	vmul.f32 v60, v5  }
0xbe: {  	v50 =	vor.u32 $0x3F, v24;
	v51 =	vor.u32 $0x3E, v24;
	v0 =	vadd.f32 v18, v0  }
0xbf: {  	v52 =	vor.u32 $0x3D, v24;
	v33 =	vmul.f32 v2, v46;
	v8 =	vmul.f32 v32, v47  }
0xc0: {  	v53 =	vor.u32 $0x3C, v24;
	v54 =	vor.u32 $0x3B, v24;
	v0 =	vadd.f32 v4, v0  }
0xc1: {  	v55 =	vor.u32 $0x3A, v24;
	v5 =	vmul.f32 v33, v2;
	v8 =	vmul.f32 v8, v32  }
0xc2: {  	v56 =	vor.u32 $0x39, v24;
	v57 =	vor.u32 $0x38, v24;
	v0 =	vadd.f32 v34, v0  }
0xc3: {  	v58 =	vor.u32 $0x37, v24;
	v5 =	vsub.f32 $1.500000000e+00, v5;
	v38 =	vsub.f32 $1.500000000e+00, v8  }
0xc4: {  	v40 =	vor.u32 $0x31, v24;
	v45 =	vmul.f32 v6, v37;
	v0 =	vadd.f32 v36, v0  }
0xc5: {  	v42 =	vor.u32 $0x30, v24;
	v25 =	vmul.f32 v5, v2;
	v26 =	vmul.f32 v38, v32  }
0xc6: {  	v48 =	vor.u32 $0x2D, v24;
	[tilespmem:$0x1FF90] =	vst v40;
	v44 =	vor.u32 $0x2F, v24;
	v0 =	vadd.f32 v39, v0  }
0xc7: {  	[tilespmem:$0x1FFA0] =	vst v42;
	v61 =	vor.u32 $0x34, v24;
	v43 =	vmul.f32 v25, v46;
	v4 =	vmul.f32 v26, v47  }
0xc8: {  	[tilespmem:$0x1FFE0] =	vst v48;
	v62 =	vor.u32 $0x33, v24;
	v63 =	vor.u32 $0x32, v24;
	v0 =	vadd.f32 v41, v0  }
0xc9: {  	[tilespmem:$0x1FFB0] =	vst v44;
	v46 =	vor.u32 $0x2E, v24;
	v3 =	vmul.f32 v43, v25;
	v4 =	vmul.f32 v4, v26  }
0xca: {  	v59 =	vor.u32 $0x36, v24;
	[tilespmem:$0x1FFC0] =	vst v46;
	v47 =	vor.u32 $0x2C, v24;
	v27 =	vadd.f32 v45, v0  }
0xcb: {  	s14 =	simm.s32 $0x20;
	v60 =	vor.u32 $0x35, v24;
	[tilespmem:$0x1FFD0] =	vst v47;
	v30 =	vsub.f32 $1.500000000e+00, v3;
	v29 =	vsub.f32 $1.500000000e+00, v4  }
.LBB2_2:
0xcc: {  	v0 =	vor.u32 $0x1, v24;
	v32 =	vor.u32 $0x2A, v24;
	v1 =	vor.u32 $0x2B, v24  }
0xcd: {  	[tilespmem:$0x1FF00] =	vst v58;
	v4 =	vor.u32 $0x2, v24;
	v31 =	vor.u32 $0x29, v24;
	v7 =	vor.u32 $0x3, v24  }
0xce: {  	[tilespmem:$0x1FEB0] =	vst v63;
	v38 =	vadd.f32 v28, v27;
	v2 =	vmul.f32 v30, v25;
	v3 =	vmul.f32 v29, v26  }
0xcf: {  	[tilespmem:$0x1FF10] =	vst v57;
	v42 =	vld.idx.msk [tilespmem:v24+s9+$0x0], $0xffff;
	v40 =	vor.u32 $0x4, v24;
	v41 =	vor.u32 $0x5, v24;
	v34 =	vor.u32 $0x20, v24  }
0xd0: {  	v43 =	vld.idx.msk [tilespmem:v24+s10+$0x0], $0xffff;
	[tilespmem:$0x1FEA0] =	vst v1;
	v2 =	vmin.f32 v2, $9.999999950e+11;
	v3 =	vmin.f32 v3, $9.999999950e+11;
	v1 =	vadd.f32 v38, v38  }
0xd1: {  	[tilespmem:$0x1FF50] =	vst v53;
	v33 =	vor.u32 $0x21, v24;
	v5 =	vmul.f32 v2, v22;
	v6 =	vmul.f32 v3, v23;
	v44 =	vld.idx.msk [tilespmem:v0+s9+$0x0], $0xffff  }
0xd2: {  	[tilespmem:$0x1FEF0] =	vst v59;
	v36 =	vor.u32 $0x1E, v24;
	v35 =	vor.u32 $0x1F, v24;
	v1 =	vmul.f32 v2, v1;
	v59 =	vld.idx.msk [tilespmem:v0+s10+$0x0], $0xffff  }
0xd3: {  	[tilespmem:$0x1FF60] =	vst v52;
	v52 =	vor.u32 $0x6, v24;
	v45 =	vld.idx.msk [tilespmem:v4+s9+$0x0], $0xffff;
	v2 =	vmul.f32 v5, v2;
	v39 =	vmul.f32 v6, v3  }
0xd4: {  	[tilespmem:$0x1FEE0] =	vst v60;
	v53 =	vor.u32 $0x7, v24;
	v37 =	vor.u32 $0x1D, v24;
	v19 =	vor.u32 $0x8, v24;
	v60 =	vld.idx.msk [tilespmem:v4+s10+$0x0], $0xffff  }
0xd5: {  	[tilespmem:$0x1FF20] =	vst v56;
	v56 =	vor.u32 $0x9, v24;
	v46 =	vld.idx.msk [tilespmem:v7+s9+$0x0], $0xffff;
	v1 =	vmul.f32 v3, v1;
	v2 =	vadd.f32 v39, v2  }
0xd6: {  	[tilespmem:$0x1FED0] =	vst v61;
	v9 =	vor.u32 $0xA, v24;
	v11 =	vor.u32 $0x17, v24;
	v26 =	vor.u32 $0x28, v24;
	v61 =	vld.idx.msk [tilespmem:v7+s10+$0x0], $0xffff  }
0xd7: {  	v58 =	vmul.f32 v42, v42;
	v47 =	vld.idx.msk [tilespmem:v40+s9+$0x0], $0xffff;
	v13 =	vmul.f32 v43, v43;
	v1 =	vsub.f32 v2, v1  }
0xd8: {  	[tilespmem:$0x1FEC0] =	vst v62;
	v27 =	vor.u32 $0x27, v24;
	v62 =	vld.idx.msk [tilespmem:v40+s10+$0x0], $0xffff;
	v12 =	vmul.f32 v44, v44;
	v8 =	vmul.f32 v59, v59  }
0xd9: {  	[tilespmem:$0x1FF30] =	vst v55;
	v48 =	vld.idx.msk [tilespmem:v41+s9+$0x0], $0xffff;
	v16 =	vmul.f32 v45, v45;
	v18 =	vmul.f32 v60, v60;
	v1 =	vmax.f32 v1, $9.999999960e-13  }
0xda: {  	[tilespmem:$0x1FF40] =	vst v54;
	v63 =	vld.idx.msk [tilespmem:v41+s10+$0x0], $0xffff;
	v15 =	vadd.f32 v12, v58;
	v17 =	vadd.f32 v8, v13;
	v14 =	vmin.f32 v1, $9.999999950e+11  }
0xdb: {  	[tilespmem:$0x1FF80] =	vst v50;
	v25 =	vor.u32 $0x26, v24;
	v22 =	vld.idx.msk [tilespmem:v52+s10+$0x0], $0xffff;
	v54 =	vmul.f32 v46, v46;
	v49 =	vadd.f32 v14, v49  }
0xdc: {  	v50 =	vld.idx.msk [tilespmem:v53+s9+$0x0], $0xffff;
	v55 =	vmul.f32 v61, v61;
	v1 =	vadd.f32 v16, v15;
	v6 =	vadd.f32 v18, v17  }
0xdd: {  	v29 =	vor.u32 $0x23, v24;
	v28 =	vor.u32 $0x24, v24;
	v57 =	vmul.f32 v47, v47;
	[tilespmem:$0x1FE90] =	vst v49;
	v49 =	vld.idx.msk [tilespmem:v52+s9+$0x0], $0xffff  }
0xde: {  	v2 =	vld.idx.msk [tilespmem:v53+s10+$0x0], $0xffff;
	v58 =	vmul.f32 v62, v62;
	v1 =	vadd.f32 v54, v1;
	v6 =	vadd.f32 v55, v6  }
0xdf: {  	[tilespmem:$0x1FF70] =	vst v51;
	v30 =	vor.u32 $0x22, v24;
	v51 =	vld.idx.msk [tilespmem:v19+s9+$0x0], $0xffff;
	v12 =	vmul.f32 v48, v48;
	v8 =	vor.u32 $0xC, v24  }
0xe0: {  	v4 =	vld.idx.msk [tilespmem:v56+s10+$0x0], $0xffff;
	v14 =	vmul.f32 v63, v63;
	v1 =	vadd.f32 v57, v1;
	v13 =	vadd.f32 v58, v6  }
0xe1: {  	v38 =	vor.u32 $0x1C, v24;
	v3 =	vld.idx.msk [tilespmem:v19+s10+$0x0], $0xffff;
	v15 =	vor.u32 $0xB, v24;
	v16 =	vmul.f32 v22, v22  }
0xe2: {  	v53 =	vld.idx.msk [tilespmem:v9+s9+$0x0], $0xffff;
	v1 =	vadd.f32 v12, v1;
	v5 =	vadd.f32 v14, v13;
	v10 =	vmul.f32 v49, v49  }
0xe3: {  	v23 =	vor.u32 $0x25, v24;
	v17 =	vmul.f32 v50, v50;
	v18 =	vmul.f32 v2, v2;
	v52 =	vld.idx.msk [tilespmem:v56+s9+$0x0], $0xffff  }
0xe4: {  	v6 =	vadd.f32 v16, v5;
	v5 =	vld.idx.msk [tilespmem:v9+s10+$0x0], $0xffff;
	v9 =	vor.u32 $0xD, v24;
	v1 =	vadd.f32 v10, v1  }
0xe5: {  	v40 =	vor.u32 $0x1A, v24;
	v55 =	vld.idx.msk [tilespmem:v8+s9+$0x0], $0xffff;
	v12 =	vor.u32 $0xE, v24;
	v16 =	vmul.f32 v51, v51  }
0xe6: {  	v54 =	vld.idx.msk [tilespmem:v15+s9+$0x0], $0xffff;
	v6 =	vadd.f32 v18, v6;
	v19 =	vadd.f32 v17, v1;
	v17 =	vmul.f32 v3, v3  }
0xe7: {  	v41 =	vor.u32 $0x19, v24;
	v42 =	vmul.f32 v43, v42;
	v14 =	vor.u32 $0xF, v24;
	v1 =	vld.idx.msk [tilespmem:v15+s10+$0x0], $0xffff  }
0xe8: {  	v18 =	vadd.f32 v16, v19;
	v19 =	vmul.f32 v52, v52;
	v57 =	vadd.f32 v17, v6;
	v6 =	vld.idx.msk [tilespmem:v8+s10+$0x0], $0xffff  }
0xe9: {  	v39 =	vor.u32 $0x1B, v24;
	v43 =	vmul.f32 v59, v44;
	v58 =	vmul.f32 v4, v4;
	v56 =	vld.idx.msk [tilespmem:v9+s9+$0x0], $0xffff  }
0xea: {  	v13 =	vor.u32 $0x16, v24;
	v15 =	vmul.f32 v53, v53;
	v7 =	vld.idx.msk [tilespmem:v9+s10+$0x0], $0xffff;
	v0 =	vadd.f32 v19, v18  }
0xeb: {  	v17 =	vmul.f32 v5, v5;
	v8 =	vld.idx.msk [tilespmem:v12+s10+$0x0], $0xffff;
	v58 =	vadd.f32 v58, v57;
	v18 =	vor.u32 $0x10, v24  }
0xec: {  	v21 =	vmul.f32 v55, v55;
	v57 =	vld.idx.msk [tilespmem:v12+s9+$0x0], $0xffff;
	v9 =	vadd.f32 v15, v0;
	v0 =	vmul.f32 v54, v54  }
0xed: {  	v12 =	vor.u32 $0x11, v24;
	v20 =	vmul.f32 v1, v1;
	v17 =	vadd.f32 v17, v58;
	v58 =	vld.idx.msk [tilespmem:v14+s9+$0x0], $0xffff  }
0xee: {  	v10 =	vor.u32 $0x18, v24;
	v16 =	vor.u32 $0x15, v24;
	v15 =	vadd.f32 v0, v9;
	v9 =	vld.idx.msk [tilespmem:v14+s10+$0x0], $0xffff  }
0xef: {  	v55 =	vmul.f32 v6, v55;
	v17 =	vadd.f32 v20, v17;
	v20 =	vmul.f32 v6, v6;
	v6 =	vld.idx.msk [tilespmem:v39+s10+$0x0], $0xffff  }
0xf0: {  	v19 =	vor.u32 $0x14, v24;
	v0 =	vor.u32 $0x13, v24;
	v14 =	vor.u32 $0x12, v24;
	v24 =	vld.idx.msk [tilespmem:v18+s9+$0x0], $0xffff  }
0xf1: {  	v59 =	vld.idx.msk [tilespmem:v18+s10+$0x0], $0xffff;
	v18 =	vadd.f32 $0.0e+00, v42;
	v15 =	vadd.f32 v21, v15;
	v21 =	vmul.f32 v56, v56  }
0xf2: {  	v44 =	vmul.f32 v60, v45;
	v42 =	vld.idx.msk [tilespmem:v12+s9+$0x0], $0xffff;
	v17 =	vadd.f32 v20, v17;
	v20 =	vmul.f32 v7, v7  }
0xf3: {  	v60 =	vld.idx.msk [tilespmem:v12+s10+$0x0], $0xffff;
	v12 =	vadd.f32 v43, v18;
	v15 =	vadd.f32 v21, v15;
	v21 =	vmul.f32 v57, v57  }
0xf4: {  	v18 =	vmul.f32 v62, v47;
	v47 =	vld.idx.msk [tilespmem:v13+s9+$0x0], $0xffff;
	v17 =	vadd.f32 v20, v17;
	v20 =	vmul.f32 v8, v8  }
0xf5: {  	v45 =	vmul.f32 v58, v58;
	v43 =	vld.idx.msk [tilespmem:v14+s9+$0x0], $0xffff;
	v15 =	vadd.f32 v21, v15  }
0xf6: {  	v12 =	vadd.f32 v44, v12;
	v44 =	vld.idx.msk [tilespmem:v0+s9+$0x0], $0xffff;
	v17 =	vadd.f32 v20, v17;
	v20 =	vmul.f32 v9, v9  }
0xf7: {  	v21 =	vmul.f32 v61, v46;
	v61 =	vld.idx.msk [tilespmem:v14+s10+$0x0], $0xffff;
	v14 =	vadd.f32 v45, v15;
	v15 =	vmul.f32 v24, v24  }
0xf8: {  	v62 =	vld.idx.msk [tilespmem:v0+s10+$0x0], $0xffff;
	v17 =	vadd.f32 v20, v17;
	v20 =	vmul.f32 v59, v59  }
0xf9: {  	v46 =	vld.idx.msk [tilespmem:v16+s9+$0x0], $0xffff;
	v0 =	vadd.f32 v21, v12;
	v12 =	vadd.f32 v15, v14  }
0xfa: {  	v45 =	vld.idx.msk [tilespmem:v19+s9+$0x0], $0xffff;
	v14 =	vmul.f32 v42, v42;
	v15 =	vmul.f32 v63, v48;
	v17 =	vadd.f32 v20, v17  }
0xfb: {  	v20 =	vmul.f32 v60, v60;
	v63 =	vld.idx.msk [tilespmem:v19+s10+$0x0], $0xffff;
	v18 =	vadd.f32 v18, v0;
	v48 =	vmul.f32 v22, v49  }
0xfc: {  	v0 =	vld.idx.msk [tilespmem:v16+s10+$0x0], $0xffff;
	v16 =	vmul.f32 v2, v50;
	v12 =	vadd.f32 v14, v12;
	v14 =	vmul.f32 v43, v43  }
0xfd: {  	v2 =	vld.idx.msk [tilespmem:v13+s10+$0x0], $0xffff;
	v17 =	vadd.f32 v20, v17;
	v20 =	vmul.f32 v61, v61;
	v15 =	vadd.f32 v15, v18  }
0xfe: {  	v49 =	vmul.f32 v44, v44;
	v50 =	vld.idx.msk [tilespmem:v41+s9+$0x0], $0xffff;
	v12 =	vadd.f32 v14, v12  }
0xff: {  	v22 =	vld.idx.msk [tilespmem:v27+s9+$0x0], $0xffff;
	v18 =	vmul.f32 v62, v62;
	v17 =	vadd.f32 v20, v17;
	v13 =	vadd.f32 v48, v15  }
0x100: {  	v14 =	vmul.f32 v45, v45;
	v48 =	vld.idx.msk [tilespmem:v11+s9+$0x0], $0xffff;
	v15 =	vmul.f32 v3, v51;
	v12 =	vadd.f32 v49, v12  }
0x101: {  	v3 =	vld.idx.msk [tilespmem:v11+s10+$0x0], $0xffff;
	v17 =	vadd.f32 v18, v17;
	v18 =	vmul.f32 v63, v63;
	v11 =	vadd.f32 v16, v13  }
0x102: {  	v13 =	vmul.f32 v46, v46;
	v49 =	vld.idx.msk [tilespmem:v10+s9+$0x0], $0xffff;
	v12 =	vadd.f32 v14, v12;
	v14 =	vmul.f32 v4, v52  }
0x103: {  	v16 =	vadd.f32 v18, v17;
	v17 =	vmul.f32 v0, v0;
	v4 =	vld.idx.msk [tilespmem:v10+s10+$0x0], $0xffff;
	v10 =	vadd.f32 v15, v11  }
0x104: {  	v52 =	vmul.f32 v47, v47;
	v11 =	vadd.f32 v13, v12;
	v13 =	vmul.f32 v5, v53;
	v5 =	vld.idx.msk [tilespmem:v41+s10+$0x0], $0xffff  }
0x105: {  	v15 =	vadd.f32 v17, v16;
	v53 =	vmul.f32 v2, v2;
	v41 =	vld.idx.msk [tilespmem:v40+s9+$0x0], $0xffff  }
0x106: {  	v10 =	vadd.f32 v14, v10;
	v11 =	vadd.f32 v52, v11;
	v52 =	vmul.f32 v1, v54;
	v1 =	vld.idx.msk [tilespmem:v40+s10+$0x0], $0xffff  }
0x107: {  	v51 =	vmul.f32 v48, v48;
	v15 =	vadd.f32 v53, v15;
	v53 =	vmul.f32 v3, v3;
	v40 =	vld.idx.msk [tilespmem:v39+s9+$0x0], $0xffff  }
0x108: {  	v10 =	vadd.f32 v13, v10;
	v54 =	vmul.f32 v49, v49;
	v39 =	vld.idx.msk [tilespmem:v38+s9+$0x0], $0xffff  }
0x109: {  	v11 =	vadd.f32 v51, v11;
	v15 =	vadd.f32 v53, v15;
	v53 =	vmul.f32 v7, v56;
	v7 =	vld.idx.msk [tilespmem:v38+s10+$0x0], $0xffff  }
0x10a: {  	v10 =	vadd.f32 v52, v10;
	v38 =	vld.idx.msk [tilespmem:v37+s9+$0x0], $0xffff  }
0x10b: {  	v52 =	vmul.f32 v50, v50;
	v56 =	vmul.f32 v8, v57;
	v8 =	vld.idx.msk [tilespmem:v37+s10+$0x0], $0xffff;
	v11 =	vadd.f32 v54, v11  }
0x10c: {  	v37 =	vld.idx.msk [tilespmem:v36+s9+$0x0], $0xffff  }
0x10d: {  	v11 =	vadd.f32 v52, v11;
	v52 =	vmul.f32 v9, v58;
	v9 =	vld.idx.msk [tilespmem:v36+s10+$0x0], $0xffff  }
0x10e: {  	v51 =	vmul.f32 v4, v4;
	v36 =	vld.idx.msk [tilespmem:v35+s9+$0x0], $0xffff  }
0x10f: {  	v10 =	vadd.f32 v55, v10;
	v55 =	vmul.f32 v41, v41;
	v35 =	vld.idx.msk [tilespmem:v35+s10+$0x0], $0xffff  }
0x110: {  	v15 =	vadd.f32 v51, v15;
	v54 =	vmul.f32 v5, v5;
	v58 =	vmul.f32 v60, v42;
	v42 =	vld.idx.msk [tilespmem:v34+s10+$0x0], $0xffff  }
0x111: {  	v51 =	vmul.f32 v40, v40;
	v11 =	vadd.f32 v55, v11;
	v55 =	vmul.f32 v59, v24;
	v24 =	vld.idx.msk [tilespmem:v34+s9+$0x0], $0xffff  }
0x112: {  	v57 =	vmul.f32 v1, v1;
	v15 =	vadd.f32 v54, v15;
	v10 =	vadd.f32 v53, v10;
	v34 =	vld.idx.msk [tilespmem:v33+s9+$0x0], $0xffff  }
0x113: {  	v54 =	vmul.f32 v39, v39;
	v11 =	vadd.f32 v51, v11;
	v51 =	vmul.f32 v61, v43;
	v43 =	vld.idx.msk [tilespmem:v33+s10+$0x0], $0xffff  }
0x114: {  	v53 =	vmul.f32 v6, v6;
	v15 =	vadd.f32 v57, v15;
	v10 =	vadd.f32 v56, v10;
	v33 =	vld.idx.msk [tilespmem:v30+s9+$0x0], $0xffff  }
0x115: {  	v57 =	vmul.f32 v38, v38;
	v11 =	vadd.f32 v54, v11;
	v54 =	vmul.f32 v62, v44;
	v44 =	vld.idx.msk [tilespmem:v30+s10+$0x0], $0xffff  }
0x116: {  	v56 =	vmul.f32 v7, v7;
	v15 =	vadd.f32 v53, v15;
	v30 =	vld.idx.msk [tilespmem:v29+s9+$0x0], $0xffff  }
0x117: {  	v10 =	vadd.f32 v52, v10;
	v11 =	vadd.f32 v57, v11;
	v57 =	vmul.f32 v63, v45;
	v45 =	vld.idx.msk [tilespmem:v29+s10+$0x0], $0xffff  }
0x118: {  	v60 =	vmul.f32 v37, v37;
	v59 =	vmul.f32 v8, v8;
	v15 =	vadd.f32 v56, v15;
	v29 =	vld.idx.msk [tilespmem:v28+s9+$0x0], $0xffff  }
0x119: {  	v52 =	vmul.f32 v9, v9;
	v10 =	vadd.f32 v55, v10;
	v63 =	vmul.f32 v2, v47;
	v2 =	vld.idx.msk [tilespmem:v23+s10+$0x0], $0xffff  }
0x11a: {  	v15 =	vadd.f32 v59, v15;
	v11 =	vadd.f32 v60, v11;
	v60 =	vmul.f32 v0, v46;
	v0 =	vld.idx.msk [tilespmem:v28+s10+$0x0], $0xffff  }
0x11b: {  	v53 =	vmul.f32 v36, v36;
	v55 =	vmul.f32 v35, v35;
	v10 =	vadd.f32 v58, v10;
	v28 =	vld.idx.msk [tilespmem:v23+s9+$0x0], $0xffff  }
0x11c: {  	v56 =	vmul.f32 v24, v24;
	v58 =	vmul.f32 v42, v42;
	v15 =	vadd.f32 v52, v15;
	v23 =	vld.idx.msk [tilespmem:v25+s9+$0x0], $0xffff  }
0x11d: {  	v59 =	vmul.f32 v34, v34;
	v10 =	vadd.f32 v51, v10;
	v52 =	vmul.f32 v3, v48;
	v3 =	vld.idx.msk [tilespmem:v25+s10+$0x0], $0xffff  }
0x11e: {  	v61 =	vmul.f32 v43, v43;
	v25 =	vld.idx.msk [tilespmem:v32+s9+$0x0], $0xffff;
	v11 =	vadd.f32 v53, v11;
	v15 =	vadd.f32 v55, v15  }
0x11f: {  	v51 =	vmul.f32 v7, v39;
	v39 =	vmul.f32 v42, v24;
	v42 =	vld [tilespmem:$0x1FFA0];
	v10 =	vadd.f32 v54, v10  }
0x120: {  	v55 =	vmul.f32 v4, v49;
	v4 =	vld.idx.msk [tilespmem:v27+s10+$0x0], $0xffff;
	v11 =	vadd.f32 v56, v11;
	v15 =	vadd.f32 v58, v15  }
0x121: {  	v62 =	vmul.f32 v33, v33;
	v10 =	vadd.f32 v57, v10;
	v58 =	vmul.f32 v5, v50;
	v50 =	vld [tilespmem:$0x1FEA0]  }
0x122: {  	v46 =	vmul.f32 v44, v44;
	v27 =	vld.idx.msk [tilespmem:v26+s9+$0x0], $0xffff;
	v11 =	vadd.f32 v59, v11;
	v15 =	vadd.f32 v61, v15  }
0x123: {  	v47 =	vmul.f32 v30, v30;
	v53 =	vmul.f32 v45, v45;
	v5 =	vld.idx.msk [tilespmem:v26+s10+$0x0], $0xffff;
	v10 =	vadd.f32 v60, v10  }
0x124: {  	v54 =	vmul.f32 v29, v29;
	v26 =	vld.idx.msk [tilespmem:v31+s9+$0x0], $0xffff;
	v11 =	vadd.f32 v62, v11;
	v15 =	vadd.f32 v46, v15  }
0x125: {  	v56 =	vmul.f32 v0, v0;
	v61 =	vmul.f32 v1, v41;
	v1 =	vld.idx.msk [tilespmem:v31+s10+$0x0], $0xffff;
	v10 =	vadd.f32 v63, v10  }
0x126: {  	v41 =	vmul.f32 v6, v40;
	v6 =	vld.idx.msk [tilespmem:v32+s10+$0x0], $0xffff;
	v11 =	vadd.f32 v47, v11;
	v15 =	vadd.f32 v53, v15  }
0x127: {  	v18 =	vld.idx.msk [tilespmem:v42+s9+$0x0], $0xffff;
	v10 =	vadd.f32 v52, v10  }
0x128: {  	v59 =	vmul.f32 v2, v2;
	v11 =	vadd.f32 v54, v11;
	v15 =	vadd.f32 v56, v15;
	v54 =	vld [tilespmem:$0x1FFD0]  }
0x129: {  	v62 =	vmul.f32 v3, v3;
	v32 =	vld.idx.msk [tilespmem:v50+s9+$0x0], $0xffff  }
0x12a: {  	v10 =	vadd.f32 v55, v10;
	v55 =	vmul.f32 v8, v38;
	v38 =	vld [tilespmem:$0x1FFB0];
	v15 =	vadd.f32 v59, v15  }
0x12b: {  	v7 =	vld.idx.msk [tilespmem:v50+s10+$0x0], $0xffff  }
0x12c: {  	v46 =	vmul.f32 v4, v4;
	v10 =	vadd.f32 v58, v10;
	v58 =	vld [tilespmem:$0x1FFE0];
	v15 =	vadd.f32 v62, v15  }
0x12d: {  	v62 =	vld [tilespmem:$0x1FFC0]  }
0x12e: {  	v15 =	vadd.f32 v46, v15;
	v46 =	vmul.f32 v43, v34;
	v34 =	vld.idx.msk [tilespmem:v42+s10+$0x0], $0xffff  }
0x12f: {  	v43 =	vld [tilespmem:$0x1FEE0]  }
0x130: {  	v10 =	vadd.f32 v61, v10;
	v31 =	vld.idx.msk [tilespmem:v54+s9+$0x0], $0xffff  }
0x131: {  	v8 =	vld.idx.msk [tilespmem:v54+s10+$0x0], $0xffff  }
0x132: {  	v10 =	vadd.f32 v41, v10;
	v19 =	vld.idx.msk [tilespmem:v38+s9+$0x0], $0xffff  }
0x133: {  	v57 =	vmul.f32 v28, v28;
	v24 =	vld.idx.msk [tilespmem:v38+s10+$0x0], $0xffff  }
0x134: {  	v52 =	vmul.f32 v5, v5;
	v10 =	vadd.f32 v51, v10;
	v51 =	vld [tilespmem:$0x1FF90]  }
0x135: {  	v60 =	vmul.f32 v23, v23;
	v11 =	vadd.f32 v57, v11;
	v21 =	vld.idx.msk [tilespmem:v58+s9+$0x0], $0xffff  }
0x136: {  	v56 =	vmul.f32 v1, v1;
	v59 =	vmul.f32 v9, v37;
	v15 =	vadd.f32 v52, v15;
	v9 =	vld.idx.msk [tilespmem:v58+s10+$0x0], $0xffff  }
0x137: {  	v63 =	vmul.f32 v22, v22;
	v11 =	vadd.f32 v60, v11;
	v10 =	vadd.f32 v55, v10;
	v55 =	vld [tilespmem:$0x1FEB0]  }
0x138: {  	v60 =	vmul.f32 v6, v6;
	v15 =	vadd.f32 v56, v15;
	v56 =	vmul.f32 v45, v30;
	v45 =	vld [tilespmem:$0x1FEF0]  }
0x139: {  	v47 =	vmul.f32 v27, v27;
	v11 =	vadd.f32 v63, v11;
	v63 =	vmul.f32 v35, v36;
	v20 =	vld.idx.msk [tilespmem:v62+s9+$0x0], $0xffff  }
0x13a: {  	v36 =	vmul.f32 v7, v7;
	v15 =	vadd.f32 v60, v15;
	v35 =	vld.idx.msk [tilespmem:v62+s10+$0x0], $0xffff;
	v10 =	vadd.f32 v59, v10  }
0x13b: {  	v53 =	vmul.f32 v26, v26;
	v11 =	vadd.f32 v47, v11;
	v59 =	vld [tilespmem:$0x1FEC0]  }
0x13c: {  	v40 =	vmul.f32 v8, v8;
	v15 =	vadd.f32 v36, v15;
	v10 =	vadd.f32 v63, v10;
	v13 =	vld.idx.msk [tilespmem:v43+s9+$0x0], $0xffff  }
0x13d: {  	v3 =	vmul.f32 v3, v23;
	v57 =	vmul.f32 v25, v25;
	v11 =	vadd.f32 v53, v11;
	v23 =	vld.idx.msk [tilespmem:v43+s10+$0x0], $0xffff  }
0x13e: {  	v47 =	vmul.f32 v9, v9;
	v15 =	vadd.f32 v40, v15;
	v10 =	vadd.f32 v39, v10;
	v17 =	vld.idx.msk [tilespmem:v51+s9+$0x0], $0xffff  }
0x13f: {  	v61 =	vmul.f32 v32, v32;
	v52 =	vmul.f32 v44, v33;
	v11 =	vadd.f32 v57, v11;
	v33 =	vld.idx.msk [tilespmem:v51+s10+$0x0], $0xffff  }
0x140: {  	v40 =	vld [tilespmem:$0x1FED0];
	v53 =	vmul.f32 v35, v35;
	v15 =	vadd.f32 v47, v15;
	v10 =	vadd.f32 v46, v10  }
0x141: {  	v37 =	vmul.f32 v31, v31;
	v11 =	vadd.f32 v61, v11;
	v51 =	vld [tilespmem:$0x1FF10]  }
0x142: {  	v57 =	vmul.f32 v24, v24;
	v39 =	vld [tilespmem:$0x1FF80];
	v36 =	vadd.f32 v53, v15;
	v10 =	vadd.f32 v52, v10  }
0x143: {  	v60 =	vmul.f32 v0, v29;
	v41 =	vmul.f32 v21, v21;
	v11 =	vadd.f32 v37, v11;
	v30 =	vld.idx.msk [tilespmem:v55+s10+$0x0], $0xffff  }
0x144: {  	v61 =	vmul.f32 v34, v34;
	v16 =	vld.idx.msk [tilespmem:v55+s9+$0x0], $0xffff;
	v29 =	vadd.f32 v57, v36;
	v62 =	vadd.f32 v56, v10  }
0x145: {  	v2 =	vmul.f32 v2, v28;
	v50 =	vmul.f32 v20, v20;
	v11 =	vadd.f32 v41, v11;
	v47 =	vld [tilespmem:$0x1FF00]  }
0x146: {  	v15 =	vld.idx.msk [tilespmem:v59+s9+$0x0], $0xffff;
	v28 =	vadd.f32 v61, v29;
	v29 =	vmul.f32 v33, v33;
	v41 =	vadd.f32 v60, v62  }
0x147: {  	v54 =	vmul.f32 v19, v19;
	v11 =	vadd.f32 v50, v11;
	v0 =	vld.idx.msk [tilespmem:v59+s10+$0x0], $0xffff  }
0x148: {  	v53 =	vld [tilespmem:$0x1FF20];
	v28 =	vadd.f32 v29, v28;
	v29 =	vmul.f32 v30, v30;
	v36 =	vadd.f32 v2, v41  }
0x149: {  	v58 =	vmul.f32 v18, v18;
	v11 =	vadd.f32 v54, v11;
	v14 =	vld.idx.msk [tilespmem:v40+s9+$0x0], $0xffff  }
0x14a: {  	v4 =	vmul.f32 v4, v22;
	v10 =	vld.idx.msk [tilespmem:v40+s10+$0x0], $0xffff;
	v22 =	vadd.f32 v29, v28;
	v29 =	vadd.f32 v3, v36  }
0x14b: {  	v63 =	vmul.f32 v17, v17;
	v11 =	vadd.f32 v58, v11;
	v58 =	vld [tilespmem:$0x1FF50]  }
0x14c: {  	v27 =	vmul.f32 v5, v27;
	v61 =	vld [tilespmem:$0x1FF60];
	v29 =	vadd.f32 v4, v29  }
0x14d: {  	v42 =	vmul.f32 v16, v16;
	v11 =	vadd.f32 v63, v11;
	v2 =	vld.idx.msk [tilespmem:v45+s9+$0x0], $0xffff  }
0x14e: {  	v26 =	vmul.f32 v1, v26;
	v5 =	vld.idx.msk [tilespmem:v47+s10+$0x0], $0xffff;
	v27 =	vadd.f32 v27, v29  }
0x14f: {  	v44 =	vmul.f32 v15, v15;
	v12 =	vadd.f32 v42, v11;
	v11 =	vld.idx.msk [tilespmem:v45+s10+$0x0], $0xffff  }
0x150: {  	v54 =	vmul.f32 v6, v25;
	v28 =	vmul.f32 v0, v0;
	v27 =	vadd.f32 v26, v27;
	v26 =	vld [tilespmem:$0x1FF30]  }
0x151: {  	v3 =	vld.idx.msk [tilespmem:v47+s9+$0x0], $0xffff;
	v46 =	vmul.f32 v14, v14;
	v12 =	vadd.f32 v44, v12  }
0x152: {  	v22 =	vadd.f32 v28, v22;
	v28 =	vmul.f32 v10, v10;
	v37 =	vadd.f32 v54, v27;
	v27 =	vld [tilespmem:$0x1FF40]  }
0x153: {  	v50 =	vmul.f32 v13, v13;
	v63 =	vld [tilespmem:$0x1FF70];
	v36 =	vadd.f32 v46, v12  }
0x154: {  	v4 =	vld.idx.msk [tilespmem:v51+s9+$0x0], $0xffff;
	v22 =	vadd.f32 v28, v22;
	v28 =	vmul.f32 v23, v23  }
0x155: {  	v52 =	vmul.f32 v2, v2;
	v12 =	vld.idx.msk [tilespmem:v51+s10+$0x0], $0xffff;
	v29 =	vadd.f32 v50, v36  }
0x156: {  	v1 =	vld.idx.msk [tilespmem:v53+s9+$0x0], $0xffff;
	v22 =	vadd.f32 v28, v22;
	v28 =	vmul.f32 v11, v11  }
0x157: {  	v32 =	vmul.f32 v7, v32;
	v25 =	vld.idx.msk [tilespmem:v53+s10+$0x0], $0xffff;
	v55 =	vmul.f32 v3, v3;
	v29 =	vadd.f32 v52, v29  }
0x158: {  	v18 =	vmul.f32 v34, v18;
	v22 =	vadd.f32 v28, v22;
	v28 =	vmul.f32 v5, v5;
	v6 =	vld.idx.msk [tilespmem:v26+s9+$0x0], $0xffff  }
0x159: {  	v31 =	vmul.f32 v8, v31;
	v56 =	vmul.f32 v4, v4;
	v29 =	vadd.f32 v55, v29;
	v26 =	vld.idx.msk [tilespmem:v26+s10+$0x0], $0xffff  }
0x15a: {  	v19 =	vmul.f32 v24, v19;
	v22 =	vadd.f32 v28, v22;
	v28 =	vmul.f32 v12, v12;
	v7 =	vld.idx.msk [tilespmem:v27+s9+$0x0], $0xffff  }
0x15b: {  	v57 =	vmul.f32 v1, v1;
	v32 =	vadd.f32 v32, v37;
	v29 =	vadd.f32 v56, v29;
	v27 =	vld.idx.msk [tilespmem:v27+s10+$0x0], $0xffff  }
0x15c: {  	v59 =	vmul.f32 v9, v21;
	v8 =	vld.idx.msk [tilespmem:v58+s9+$0x0], $0xffff;
	v22 =	vadd.f32 v28, v22;
	v28 =	vmul.f32 v25, v25  }
0x15d: {  	v21 =	vld.idx.msk [tilespmem:v58+s10+$0x0], $0xffff;
	v31 =	vadd.f32 v31, v32;
	v29 =	vadd.f32 v57, v29;
	v60 =	vmul.f32 v6, v6  }
0x15e: {  	v35 =	vmul.f32 v35, v20;
	v9 =	vld.idx.msk [tilespmem:v61+s9+$0x0], $0xffff;
	v22 =	vadd.f32 v28, v22;
	v28 =	vmul.f32 v26, v26  }
0x15f: {  	v36 =	vld.idx.msk [tilespmem:v61+s10+$0x0], $0xffff;
	v31 =	vadd.f32 v59, v31;
	v29 =	vadd.f32 v60, v29;
	v62 =	vmul.f32 v7, v7  }
0x160: {  	v13 =	vmul.f32 v23, v13;
	v20 =	vld.idx.msk [tilespmem:v63+s9+$0x0], $0xffff;
	v22 =	vadd.f32 v28, v22;
	v24 =	vmul.f32 v27, v27  }
0x161: {  	v38 =	vmul.f32 v8, v8;
	v37 =	vld.idx.msk [tilespmem:v63+s10+$0x0], $0xffff;
	v31 =	vadd.f32 v35, v31;
	v29 =	vadd.f32 v62, v29  }
0x162: {  	v17 =	vmul.f32 v33, v17;
	v28 =	vld.idx.msk [tilespmem:v39+s9+$0x0], $0xffff;
	v22 =	vadd.f32 v24, v22;
	v24 =	vmul.f32 v21, v21  }
0x163: {  	v34 =	vld.idx.msk [tilespmem:v39+s10+$0x0], $0xffff;
	v19 =	vadd.f32 v19, v31;
	v31 =	vmul.f32 v9, v9;
	v29 =	vadd.f32 v38, v29  }
0x164: {  	v16 =	vmul.f32 v30, v16;
	v22 =	vadd.f32 v24, v22;
	v24 =	vmul.f32 v36, v36  }
0x165: {  	v18 =	vadd.f32 v18, v19;
	v40 =	vadd.f32 v31, v29;
	v29 =	vmul.f32 v20, v20  }
0x166: {  	v0 =	vmul.f32 v0, v15;
	v22 =	vadd.f32 v24, v22;
	v24 =	vmul.f32 v37, v37  }
0x167: {  	v17 =	vadd.f32 v17, v18;
	v42 =	vmul.f32 v28, v28;
	v41 =	vadd.f32 v29, v40  }
0x168: {  	v30 =	vmul.f32 v34, v34;
	v10 =	vmul.f32 v10, v14;
	v24 =	vadd.f32 v24, v22  }
0x169: {  	v2 =	vmul.f32 v11, v2;
	v16 =	vadd.f32 v16, v17;
	v22 =	vadd.f32 v42, v41  }
0x16a: {  	v1 =	vmul.f32 v25, v1;
	v15 =	vmul.f32 v12, v4;
	v23 =	vadd.f32 v30, v24  }
0x16b: {  	v63 =	vmul.f32 v5, v3;
	v0 =	vadd.f32 v0, v16;
	v44 =	vshra.s32 v22, $0x1  }
0x16c: {  	v45 =	vmul.f32 $5.000000000e-01, v22;
	v46 =	vshra.s32 v23, $0x1;
	v47 =	vmul.f32 $5.000000000e-01, v23  }
0x16d: {  	v0 =	vadd.f32 v10, v0;
	v58 =	vsub.s32 $0x5F3759DF, v44;
	v59 =	vsub.s32 $0x5F3759DF, v46  }
0x16e: {  	v60 =	vmul.f32 v58, v45;
	v17 =	vmul.f32 v59, v47  }
0x16f: {  	v48 =	vld [tilespmem:$0x1FFF0];
	v35 =	vmul.f32 v21, v8;
	v32 =	vmul.f32 v26, v6;
	v0 =	vadd.f32 v13, v0  }
0x170: {  	v61 =	vmul.f32 v58, v60;
	v62 =	vmul.f32 v59, v17  }
0x171: {  	v33 =	vmul.f32 v27, v7;
	v39 =	vmul.f32 v36, v9;
	v0 =	vadd.f32 v2, v0  }
0x172: {  	v29 =	vmov s14;
	v11 =	vsub.f32 $1.500000000e+00, v61;
	v13 =	vsub.f32 $1.500000000e+00, v62  }
0x173: {  	v28 =	vmul.f32 v34, v28;
	v43 =	vshll.u32 v29, $0x6;
	v0 =	vadd.f32 v63, v0  }
0x174: {  	v24 =	vor.u32 v48, v43;
	v3 =	vmul.f32 v58, v11;
	v17 =	vmul.f32 v59, v13  }
0x175: {  	v50 =	vor.u32 $0x3F, v24;
	v51 =	vor.u32 $0x3E, v24;
	v0 =	vadd.f32 v15, v0  }
0x176: {  	v52 =	vor.u32 $0x3D, v24;
	v19 =	vmul.f32 v3, v45;
	v5 =	vmul.f32 v17, v47  }
0x177: {  	v53 =	vor.u32 $0x3C, v24;
	v54 =	vor.u32 $0x3B, v24;
	v0 =	vadd.f32 v1, v0  }
0x178: {  	v55 =	vor.u32 $0x3A, v24;
	v2 =	vmul.f32 v19, v3;
	v5 =	vmul.f32 v5, v17  }
0x179: {  	v56 =	vor.u32 $0x39, v24;
	v57 =	vor.u32 $0x38, v24;
	v0 =	vadd.f32 v32, v0  }
0x17a: {  	v38 =	vor.u32 $0x31, v24;
	v2 =	vsub.f32 $1.500000000e+00, v2;
	v5 =	vsub.f32 $1.500000000e+00, v5  }
0x17b: {  	v40 =	vor.u32 $0x30, v24;
	v43 =	vor.u32 $0x2F, v24;
	v0 =	vadd.f32 v33, v0  }
0x17c: {  	v63 =	vor.u32 $0x32, v24;
	v25 =	vmul.f32 v2, v3;
	v26 =	vmul.f32 v5, v17  }
0x17d: {  	p0 =	sne.s32 s14, $0x1F0;
	[tilespmem:$0x1FF90] =	vst v38;
	v44 =	vmul.f32 v37, v20;
	v46 =	vor.u32 $0x2C, v24;
	v0 =	vadd.f32 v35, v0  }
.Ltmp0:
0x17e: {  	[tilespmem:$0x1FFA0] =	vst v40;
	v60 =	vor.u32 $0x35, v24;
	v41 =	vmul.f32 v25, v45;
	v42 =	vmul.f32 v26, v47;
	(pc) =	sbr.rel @p0 .LBB2_2-.Ltmp0, $4  }
0x17f: {  	[tilespmem:$0x1FFB0] =	vst v43;
	v61 =	vor.u32 $0x34, v24;
	v62 =	vor.u32 $0x33, v24;
	v0 =	vadd.f32 v39, v0  }
0x180: {  	[tilespmem:$0x1FFD0] =	vst v46;
	v45 =	vor.u32 $0x2E, v24;
	v2 =	vmul.f32 v41, v25;
	v3 =	vmul.f32 v42, v26  }
0x181: {  	v58 =	vor.u32 $0x37, v24;
	v27 =	vadd.f32 v44, v0;
	v47 =	vor.u32 $0x2D, v24;
	[tilespmem:$0x1FFC0] =	vst v45  }
0x182: {  	v49 =	vld [tilespmem:$0x1FE90];
	s14 =	sadd.s32 $0x10, s14;
	v59 =	vor.u32 $0x36, v24;
	[tilespmem:$0x1FFE0] =	vst v47;
	v30 =	vsub.f32 $1.500000000e+00, v2;
	v29 =	vsub.f32 $1.500000000e+00, v3  }
0x183: {  	_ = 	snop  }
0x184: {  	v0 =	vor.u32 $0x1, v24;
	_ =	sdelay $0x1  }
0x185: {  	v1 =	vor.u32 $0x2, v24  }
0x186: {  	v2 =	vld.idx.msk [tilespmem:v24+s9+$0x0], $0xffff  }
0x187: {  	v3 =	vld.idx.msk [tilespmem:v24+s10+$0x0], $0xffff;
	v4 =	vor.u32 $0x3, v24  }
0x188: {  	v5 =	vld.idx.msk [tilespmem:v0+s9+$0x0], $0xffff  }
0x189: {  	v6 =	vor.u32 $0x4, v24;
	v0 =	vld.idx.msk [tilespmem:v0+s10+$0x0], $0xffff  }
0x18a: {  	v7 =	vld.idx.msk [tilespmem:v1+s9+$0x0], $0xffff  }
0x18b: {  	v8 =	vor.u32 $0x5, v24;
	v1 =	vld.idx.msk [tilespmem:v1+s10+$0x0], $0xffff  }
0x18c: {  	v9 =	vld.idx.msk [tilespmem:v4+s9+$0x0], $0xffff  }
0x18d: {  	v10 =	vor.u32 $0x6, v24;
	v4 =	vld.idx.msk [tilespmem:v4+s10+$0x0], $0xffff  }
0x18e: {  	v11 =	vmul.f32 v2, v2;
	v13 =	vld.idx.msk [tilespmem:v6+s9+$0x0], $0xffff;
	v12 =	vmul.f32 v5, v5  }
0x18f: {  	v16 =	vor.u32 $0x7, v24;
	v14 =	vmul.f32 v3, v3;
	v6 =	vld.idx.msk [tilespmem:v6+s10+$0x0], $0xffff  }
0x190: {  	v17 =	vld.idx.msk [tilespmem:v8+s9+$0x0], $0xffff;
	v15 =	vmul.f32 v0, v0;
	v32 =	vmul.f32 v7, v7;
	v11 =	vadd.f32 v12, v11  }
0x191: {  	v18 =	vor.u32 $0x8, v24;
	v8 =	vld.idx.msk [tilespmem:v8+s10+$0x0], $0xffff;
	v33 =	vmul.f32 v1, v1  }
0x192: {  	v19 =	vld.idx.msk [tilespmem:v10+s9+$0x0], $0xffff;
	v34 =	vmul.f32 v9, v9;
	v14 =	vadd.f32 v15, v14;
	v11 =	vadd.f32 v32, v11  }
0x193: {  	v20 =	vor.u32 $0x9, v24;
	v10 =	vld.idx.msk [tilespmem:v10+s10+$0x0], $0xffff;
	v35 =	vmul.f32 v4, v4  }
0x194: {  	v21 =	vld.idx.msk [tilespmem:v16+s9+$0x0], $0xffff;
	v36 =	vmul.f32 v13, v13;
	v14 =	vadd.f32 v33, v14;
	v11 =	vadd.f32 v34, v11  }
0x195: {  	v31 =	vor.u32 $0xA, v24;
	v37 =	vmul.f32 v6, v6  }
0x196: {  	v16 =	vld.idx.msk [tilespmem:v16+s10+$0x0], $0xffff;
	v38 =	vmul.f32 v17, v17;
	v14 =	vadd.f32 v35, v14;
	v11 =	vadd.f32 v36, v11  }
0x197: {  	v39 =	vmul.f32 v8, v8;
	v40 =	vmul.f32 v19, v19;
	v32 =	vld.idx.msk [tilespmem:v18+s9+$0x0], $0xffff  }
0x198: {  	v18 =	vld.idx.msk [tilespmem:v18+s10+$0x0], $0xffff;
	v33 =	vor.u32 $0xB, v24;
	v14 =	vadd.f32 v37, v14;
	v11 =	vadd.f32 v38, v11  }
0x199: {  	v41 =	vmul.f32 v10, v10;
	v42 =	vmul.f32 v21, v21;
	v34 =	vld.idx.msk [tilespmem:v20+s9+$0x0], $0xffff  }
0x19a: {  	v20 =	vld.idx.msk [tilespmem:v20+s10+$0x0], $0xffff;
	v35 =	vor.u32 $0xC, v24;
	v14 =	vadd.f32 v39, v14;
	v11 =	vadd.f32 v40, v11  }
0x19b: {  	v43 =	vmul.f32 v16, v16;
	v36 =	vld.idx.msk [tilespmem:v31+s9+$0x0], $0xffff  }
0x19c: {  	v31 =	vld.idx.msk [tilespmem:v31+s10+$0x0], $0xffff;
	v44 =	vmul.f32 v32, v32;
	v14 =	vadd.f32 v41, v14;
	v11 =	vadd.f32 v42, v11  }
0x19d: {  	v37 =	vor.u32 $0xD, v24;
	v45 =	vmul.f32 v18, v18;
	v38 =	vld.idx.msk [tilespmem:v33+s9+$0x0], $0xffff  }
0x19e: {  	v33 =	vld.idx.msk [tilespmem:v33+s10+$0x0], $0xffff;
	v46 =	vmul.f32 v34, v34;
	v14 =	vadd.f32 v43, v14;
	v11 =	vadd.f32 v44, v11  }
0x19f: {  	v2 =	vmul.f32 v3, v2;
	v39 =	vld.idx.msk [tilespmem:v35+s9+$0x0], $0xffff;
	v47 =	vmul.f32 v20, v20;
	v40 =	vor.u32 $0xE, v24  }
0x1a0: {  	v14 =	vadd.f32 v45, v14;
	v44 =	vmul.f32 v36, v36;
	v11 =	vadd.f32 v46, v11  }
0x1a1: {  	v2 =	vadd.f32 $0.0e+00, v2;
	v35 =	vld.idx.msk [tilespmem:v35+s10+$0x0], $0xffff;
	v45 =	vmul.f32 v31, v31  }
0x1a2: {  	v41 =	vld.idx.msk [tilespmem:v37+s9+$0x0], $0xffff;
	v14 =	vadd.f32 v47, v14;
	v46 =	vmul.f32 v38, v38;
	v11 =	vadd.f32 v44, v11  }
0x1a3: {  	v0 =	vmul.f32 v0, v5;
	v15 =	vld.idx.msk [tilespmem:v37+s10+$0x0], $0xffff;
	v42 =	vor.u32 $0xF, v24;
	v37 =	vmul.f32 v33, v33  }
0x1a4: {  	v12 =	vmul.f32 v39, v39;
	v14 =	vadd.f32 v45, v14;
	v44 =	vld.idx.msk [tilespmem:v40+s9+$0x0], $0xffff;
	v11 =	vadd.f32 v46, v11  }
0x1a5: {  	v1 =	vmul.f32 v1, v7;
	v0 =	vadd.f32 v0, v2;
	v43 =	vor.u32 $0x10, v24  }
0x1a6: {  	v14 =	vadd.f32 v37, v14;
	v11 =	vadd.f32 v12, v11;
	v12 =	vld.idx.msk [tilespmem:v40+s10+$0x0], $0xffff;
	v40 =	vmul.f32 v35, v35  }
0x1a7: {  	v4 =	vmul.f32 v4, v9;
	v45 =	vmul.f32 v41, v41;
	v37 =	vor.u32 $0x11, v24  }
0x1a8: {  	v6 =	vmul.f32 v6, v13;
	v0 =	vadd.f32 v1, v0;
	v46 =	vld.idx.msk [tilespmem:v42+s9+$0x0], $0xffff;
	v3 =	vadd.f32 v40, v14  }
0x1a9: {  	v5 =	vadd.f32 v45, v11;
	v11 =	vld.idx.msk [tilespmem:v42+s10+$0x0], $0xffff;
	v40 =	vor.u32 $0x12, v24;
	v45 =	vmul.f32 v44, v44  }
0x1aa: {  	v8 =	vmul.f32 v8, v17;
	v14 =	vmul.f32 v15, v15;
	v42 =	vld.idx.msk [tilespmem:v43+s9+$0x0], $0xffff  }
0x1ab: {  	v0 =	vadd.f32 v4, v0;
	v7 =	vld.idx.msk [tilespmem:v43+s10+$0x0], $0xffff;
	v2 =	vadd.f32 v45, v5;
	v5 =	vor.u32 $0x13, v24  }
0x1ac: {  	v10 =	vmul.f32 v10, v19;
	v43 =	vld.idx.msk [tilespmem:v37+s9+$0x0], $0xffff;
	v3 =	vadd.f32 v14, v3;
	v47 =	vmul.f32 v12, v12  }
0x1ad: {  	v1 =	vor.u32 $0x14, v24;
	v0 =	vadd.f32 v6, v0;
	v9 =	vld.idx.msk [tilespmem:v37+s10+$0x0], $0xffff;
	v45 =	vmul.f32 v46, v46  }
0x1ae: {  	v18 =	vmul.f32 v18, v32;
	v3 =	vadd.f32 v47, v3;
	v47 =	vmul.f32 v11, v11;
	v13 =	vld.idx.msk [tilespmem:v40+s9+$0x0], $0xffff  }
0x1af: {  	v0 =	vadd.f32 v8, v0;
	v2 =	vadd.f32 v45, v2;
	v45 =	vmul.f32 v42, v42;
	v37 =	vld.idx.msk [tilespmem:v40+s10+$0x0], $0xffff  }
0x1b0: {  	v4 =	vmul.f32 v7, v7;
	v14 =	vor.u32 $0x15, v24;
	v3 =	vadd.f32 v47, v3;
	v40 =	vld.idx.msk [tilespmem:v5+s9+$0x0], $0xffff  }
0x1b1: {  	v20 =	vmul.f32 v20, v34;
	v2 =	vadd.f32 v45, v2;
	v45 =	vmul.f32 v43, v43;
	v17 =	vld.idx.msk [tilespmem:v5+s10+$0x0], $0xffff  }
0x1b2: {  	v6 =	vld.idx.msk [tilespmem:v1+s9+$0x0], $0xffff;
	v47 =	vmul.f32 v9, v9;
	v5 =	vor.u32 $0x16, v24;
	v3 =	vadd.f32 v4, v3  }
0x1b3: {  	v0 =	vadd.f32 v10, v0;
	v2 =	vadd.f32 v45, v2;
	v45 =	vmul.f32 v13, v13  }
0x1b4: {  	v19 =	vld.idx.msk [tilespmem:v1+s10+$0x0], $0xffff;
	v4 =	vor.u32 $0x17, v24;
	v3 =	vadd.f32 v47, v3;
	v47 =	vmul.f32 v37, v37  }
0x1b5: {  	v1 =	vadd.f32 v45, v2;
	v2 =	vmul.f32 v16, v21;
	v16 =	vld.idx.msk [tilespmem:v14+s9+$0x0], $0xffff;
	v45 =	vmul.f32 v40, v40  }
0x1b6: {  	v8 =	vld.idx.msk [tilespmem:v14+s10+$0x0], $0xffff;
	v10 =	vmul.f32 v17, v17;
	v14 =	vor.u32 $0x18, v24;
	v3 =	vadd.f32 v47, v3  }
0x1b7: {  	v33 =	vmul.f32 v33, v38;
	v21 =	vld.idx.msk [tilespmem:v5+s9+$0x0], $0xffff;
	v1 =	vadd.f32 v45, v1;
	v45 =	vmul.f32 v6, v6  }
0x1b8: {  	v0 =	vadd.f32 v2, v0;
	v2 =	vor.u32 $0x19, v24;
	v3 =	vadd.f32 v10, v3;
	v10 =	vld.idx.msk [tilespmem:v5+s10+$0x0], $0xffff  }
0x1b9: {  	v35 =	vmul.f32 v35, v39;
	v47 =	vmul.f32 v19, v19;
	v32 =	vld.idx.msk [tilespmem:v4+s9+$0x0], $0xffff;
	v5 =	vor.u32 $0x1A, v24  }
0x1ba: {  	v34 =	vld.idx.msk [tilespmem:v4+s10+$0x0], $0xffff;
	v1 =	vadd.f32 v45, v1;
	v0 =	vadd.f32 v18, v0;
	v45 =	vmul.f32 v16, v16  }
0x1bb: {  	v4 =	vmul.f32 v31, v36;
	v3 =	vadd.f32 v47, v3;
	v47 =	vmul.f32 v8, v8;
	v31 =	vld.idx.msk [tilespmem:v14+s9+$0x0], $0xffff  }
0x1bc: {  	v14 =	vld.idx.msk [tilespmem:v14+s10+$0x0], $0xffff;
	v0 =	vadd.f32 v20, v0;
	v1 =	vadd.f32 v45, v1;
	v45 =	vmul.f32 v21, v21  }
0x1bd: {  	v36 =	vor.u32 $0x1B, v24;
	v18 =	vadd.f32 v47, v3;
	v3 =	vld.idx.msk [tilespmem:v2+s9+$0x0], $0xffff;
	v20 =	vmul.f32 v10, v10  }
0x1be: {  	v38 =	vadd.f32 v4, v0;
	v0 =	vld.idx.msk [tilespmem:v5+s9+$0x0], $0xffff;
	v1 =	vadd.f32 v45, v1;
	v45 =	vmul.f32 v32, v32  }
0x1bf: {  	v15 =	vmul.f32 v15, v41;
	v18 =	vadd.f32 v20, v18;
	v20 =	vld.idx.msk [tilespmem:v2+s10+$0x0], $0xffff;
	v2 =	vmul.f32 v34, v34  }
0x1c0: {  	v4 =	vld.idx.msk [tilespmem:v5+s10+$0x0], $0xffff;
	v5 =	vmul.f32 v31, v31;
	v1 =	vadd.f32 v45, v1;
	v45 =	vor.u32 $0x1C, v24  }
0x1c1: {  	v47 =	vmul.f32 v14, v14;
	v2 =	vadd.f32 v2, v18;
	v18 =	vadd.f32 v33, v38  }
0x1c2: {  	v33 =	vor.u32 $0x1D, v24;
	v39 =	vmul.f32 v3, v3;
	v5 =	vadd.f32 v5, v1  }
0x1c3: {  	v1 =	vld.idx.msk [tilespmem:v36+s9+$0x0], $0xffff;
	v41 =	vmul.f32 v0, v0;
	v38 =	vadd.f32 v47, v2;
	v18 =	vadd.f32 v35, v18  }
0x1c4: {  	v35 =	vld.idx.msk [tilespmem:v36+s10+$0x0], $0xffff;
	v47 =	vmul.f32 v20, v20;
	v5 =	vadd.f32 v39, v5;
	v39 =	vor.u32 $0x1E, v24  }
0x1c5: {  	v12 =	vmul.f32 v12, v44;
	v44 =	vmul.f32 v4, v4;
	v2 =	vld.idx.msk [tilespmem:v45+s9+$0x0], $0xffff;
	v15 =	vadd.f32 v15, v18  }
0x1c6: {  	v36 =	vadd.f32 v47, v38;
	v38 =	vld.idx.msk [tilespmem:v45+s10+$0x0], $0xffff;
	v18 =	vadd.f32 v41, v5;
	v41 =	vor.u32 $0x1F, v24  }
0x1c7: {  	v5 =	vld.idx.msk [tilespmem:v33+s9+$0x0], $0xffff;
	v12 =	vadd.f32 v12, v15;
	v15 =	vor.u32 $0x20, v24  }
0x1c8: {  	v11 =	vmul.f32 v11, v46;
	v33 =	vld.idx.msk [tilespmem:v33+s10+$0x0], $0xffff;
	v36 =	vadd.f32 v44, v36;
	v44 =	vmul.f32 v1, v1  }
0x1c9: {  	v7 =	vmul.f32 v7, v42;
	v45 =	vmul.f32 v35, v35;
	v42 =	vld.idx.msk [tilespmem:v39+s9+$0x0], $0xffff  }
0x1ca: {  	v11 =	vadd.f32 v11, v12;
	v12 =	vld.idx.msk [tilespmem:v39+s10+$0x0], $0xffff;
	v18 =	vadd.f32 v44, v18;
	v44 =	vmul.f32 v2, v2  }
0x1cb: {  	v9 =	vmul.f32 v9, v43;
	v36 =	vadd.f32 v45, v36;
	v39 =	vmul.f32 v38, v38;
	v45 =	vld.idx.msk [tilespmem:v41+s9+$0x0], $0xffff  }
0x1cc: {  	v46 =	vmul.f32 v5, v5;
	v18 =	vadd.f32 v44, v18;
	v44 =	vor.u32 $0x21, v24;
	v43 =	vld.idx.msk [tilespmem:v15+s9+$0x0], $0xffff  }
0x1cd: {  	v7 =	vadd.f32 v7, v11;
	v36 =	vadd.f32 v39, v36;
	v39 =	vld.idx.msk [tilespmem:v41+s10+$0x0], $0xffff  }
0x1ce: {  	v47 =	vmul.f32 v33, v33;
	v15 =	vld.idx.msk [tilespmem:v15+s10+$0x0], $0xffff;
	v11 =	vadd.f32 v46, v18;
	v18 =	vor.u32 $0x22, v24  }
0x1cf: {  	v13 =	vmul.f32 v37, v13;
	v7 =	vadd.f32 v9, v7;
	v46 =	vmul.f32 v42, v42  }
0x1d0: {  	v17 =	vmul.f32 v17, v40;
	v36 =	vadd.f32 v47, v36;
	v47 =	vmul.f32 v12, v12  }
0x1d1: {  	v9 =	vor.u32 $0x23, v24;
	v7 =	vadd.f32 v13, v7;
	v11 =	vadd.f32 v46, v11;
	v37 =	vld.idx.msk [tilespmem:v44+s9+$0x0], $0xffff  }
0x1d2: {  	v46 =	vmul.f32 v45, v45;
	v36 =	vadd.f32 v47, v36;
	v13 =	vld.idx.msk [tilespmem:v44+s10+$0x0], $0xffff;
	v41 =	vmul.f32 v39, v39  }
0x1d3: {  	v40 =	vor.u32 $0x24, v24;
	v6 =	vmul.f32 v19, v6;
	v47 =	vmul.f32 v15, v15;
	v44 =	vld.idx.msk [tilespmem:v18+s9+$0x0], $0xffff  }
0x1d4: {  	v11 =	vadd.f32 v46, v11;
	v46 =	vmul.f32 v43, v43;
	v19 =	vadd.f32 v41, v36  }
0x1d5: {  	v8 =	vmul.f32 v8, v16;
	v7 =	vadd.f32 v17, v7;
	v17 =	vor.u32 $0x25, v24;
	v18 =	vld.idx.msk [tilespmem:v18+s10+$0x0], $0xffff  }
0x1d6: {  	v11 =	vadd.f32 v46, v11;
	v41 =	vld.idx.msk [tilespmem:v9+s9+$0x0], $0xffff;
	v16 =	vadd.f32 v47, v19;
	v47 =	vmul.f32 v37, v37  }
0x1d7: {  	v10 =	vmul.f32 v10, v21;
	v6 =	vadd.f32 v6, v7;
	v7 =	vld.idx.msk [tilespmem:v9+s10+$0x0], $0xffff;
	v9 =	vor.u32 $0x26, v24  }
0x1d8: {  	v46 =	vmul.f32 v13, v13;
	v19 =	vld.idx.msk [tilespmem:v40+s9+$0x0], $0xffff;
	v11 =	vadd.f32 v47, v11;
	v21 =	vmul.f32 v44, v44  }
0x1d9: {  	v32 =	vmul.f32 v34, v32;
	v36 =	vld.idx.msk [tilespmem:v40+s10+$0x0], $0xffff;
	v6 =	vadd.f32 v8, v6;
	v40 =	vor.u32 $0x27, v24  }
0x1da: {  	v16 =	vadd.f32 v46, v16;
	v46 =	vmul.f32 v18, v18;
	v8 =	vadd.f32 v21, v11;
	v11 =	vld.idx.msk [tilespmem:v17+s9+$0x0], $0xffff  }
0x1db: {  	v34 =	vor.u32 $0x28, v24;
	v14 =	vmul.f32 v14, v31;
	v47 =	vmul.f32 v41, v41;
	v17 =	vld.idx.msk [tilespmem:v17+s10+$0x0], $0xffff  }
0x1dc: {  	v6 =	vadd.f32 v10, v6;
	v10 =	vld.idx.msk [tilespmem:v9+s9+$0x0], $0xffff;
	v16 =	vadd.f32 v46, v16;
	v21 =	vmul.f32 v7, v7  }
0x1dd: {  	v31 =	vor.u32 $0x29, v24;
	v9 =	vld.idx.msk [tilespmem:v9+s10+$0x0], $0xffff;
	v46 =	vmul.f32 v19, v19;
	v8 =	vadd.f32 v47, v8  }
0x1de: {  	v6 =	vadd.f32 v32, v6;
	v32 =	vmul.f32 v36, v36;
	v16 =	vadd.f32 v21, v16;
	v21 =	vld.idx.msk [tilespmem:v40+s9+$0x0], $0xffff  }
0x1df: {  	v3 =	vmul.f32 v20, v3;
	v40 =	vld.idx.msk [tilespmem:v40+s10+$0x0], $0xffff;
	v8 =	vadd.f32 v46, v8;
	v47 =	vmul.f32 v11, v11  }
0x1e0: {  	v20 =	vld.idx.msk [tilespmem:v34+s9+$0x0], $0xffff;
	v46 =	vor.u32 $0x2A, v24;
	v16 =	vadd.f32 v32, v16;
	v32 =	vmul.f32 v17, v17  }
0x1e1: {  	v34 =	vld.idx.msk [tilespmem:v34+s10+$0x0], $0xffff;
	v6 =	vadd.f32 v14, v6;
	v8 =	vadd.f32 v47, v8;
	v47 =	vmul.f32 v10, v10  }
0x1e2: {  	v39 =	vmul.f32 v39, v45;
	v45 =	vld [tilespmem:$0x1FFB0];
	v14 =	vadd.f32 v32, v16;
	v32 =	vmul.f32 v9, v9  }
0x1e3: {  	v0 =	vmul.f32 v4, v0;
	v3 =	vadd.f32 v3, v6;
	v4 =	vadd.f32 v47, v8;
	v8 =	vld.idx.msk [tilespmem:v31+s10+$0x0], $0xffff  }
0x1e4: {  	v16 =	vld.idx.msk [tilespmem:v31+s9+$0x0], $0xffff;
	v31 =	vmul.f32 v21, v21;
	v6 =	vadd.f32 v32, v14;
	v47 =	vmul.f32 v40, v40  }
0x1e5: {  	v1 =	vmul.f32 v35, v1;
	v0 =	vadd.f32 v0, v3;
	v14 =	vld.idx.msk [tilespmem:v46+s9+$0x0], $0xffff  }
0x1e6: {  	v4 =	vadd.f32 v31, v4;
	v31 =	vld.idx.msk [tilespmem:v46+s10+$0x0], $0xffff;
	v47 =	vadd.f32 v47, v6;
	v46 =	vmul.f32 v34, v34;
	_ =	sdelay $0x1  }
0x1e7: {  	v0 =	vadd.f32 v1, v0;
	v1 =	vadd.f32 v46, v47;
	v46 =	vmul.f32 v8, v8  }
0x1e8: {  	v2 =	vmul.f32 v38, v2  }
0x1e9: {  	v1 =	vadd.f32 v46, v1;
	v46 =	vld [tilespmem:$0x1FFE0]  }
0x1ea: {  	v5 =	vmul.f32 v33, v5;
	v0 =	vadd.f32 v2, v0  }
0x1eb: {  	v24 =	vor.u32 $0x2B, v24  }
0x1ec: {  	v12 =	vmul.f32 v12, v42;
	v15 =	vmul.f32 v15, v43;
	v43 =	vld.idx.msk [tilespmem:v45+s10+$0x0], $0xffff;
	v0 =	vadd.f32 v5, v0  }
0x1ed: {  	v47 =	vld [tilespmem:$0x1FFD0]  }
0x1ee: {  	v0 =	vadd.f32 v12, v0;
	v12 =	vld.idx.msk [tilespmem:v45+s9+$0x0], $0xffff  }
0x1ef: {  	v45 =	vld [tilespmem:$0x1FFA0]  }
0x1f0: {  	v6 =	vld.idx.msk [tilespmem:v24+s9+$0x0], $0xffff  }
0x1f1: {  	v2 =	vld.idx.msk [tilespmem:v46+s9+$0x0], $0xffff  }
0x1f2: {  	v38 =	vld.idx.msk [tilespmem:v46+s10+$0x0], $0xffff  }
0x1f3: {  	v46 =	vld [tilespmem:$0x1FFC0]  }
0x1f4: {  	v35 =	vmul.f32 v20, v20;
	v24 =	vld.idx.msk [tilespmem:v24+s10+$0x0], $0xffff  }
0x1f5: {  	v3 =	vld.idx.msk [tilespmem:v47+s9+$0x0], $0xffff  }
0x1f6: {  	v4 =	vadd.f32 v35, v4;
	v35 =	vmul.f32 v16, v16;
	v33 =	vld.idx.msk [tilespmem:v47+s10+$0x0], $0xffff  }
0x1f7: {  	v0 =	vadd.f32 v39, v0;
	v39 =	vld.idx.msk [tilespmem:v45+s9+$0x0], $0xffff  }
0x1f8: {  	v13 =	vmul.f32 v13, v37;
	v4 =	vadd.f32 v35, v4;
	v47 =	vmul.f32 v14, v14;
	v37 =	vld.idx.msk [tilespmem:v45+s10+$0x0], $0xffff  }
0x1f9: {  	v32 =	vmul.f32 v31, v31;
	v45 =	vld [tilespmem:$0x1FF90]  }
0x1fa: {  	v4 =	vadd.f32 v47, v4;
	v47 =	vmul.f32 v6, v6  }
0x1fb: {  	v1 =	vadd.f32 v32, v1;
	v32 =	vmul.f32 v24, v24;
	v5 =	vld.idx.msk [tilespmem:v46+s9+$0x0], $0xffff  }
0x1fc: {  	v4 =	vadd.f32 v47, v4;
	v35 =	vmul.f32 v3, v3;
	v42 =	vld.idx.msk [tilespmem:v46+s10+$0x0], $0xffff  }
0x1fd: {  	v1 =	vadd.f32 v32, v1;
	v32 =	vmul.f32 v33, v33  }
0x1fe: {  	v4 =	vadd.f32 v35, v4;
	v35 =	vmul.f32 v2, v2  }
0x1ff: {  	v1 =	vadd.f32 v32, v1;
	v32 =	vmul.f32 v38, v38  }
0x200: {  	v0 =	vadd.f32 v15, v0;
	v4 =	vadd.f32 v35, v4;
	v35 =	vmul.f32 v5, v5  }
0x201: {  	v18 =	vmul.f32 v18, v44;
	v15 =	vld.idx.msk [tilespmem:v45+s9+$0x0], $0xffff;
	v1 =	vadd.f32 v32, v1;
	v32 =	vmul.f32 v42, v42  }
0x202: {  	v0 =	vadd.f32 v13, v0;
	v47 =	vmul.f32 v12, v12;
	v44 =	vld.idx.msk [tilespmem:v45+s10+$0x0], $0xffff;
	v4 =	vadd.f32 v35, v4  }
0x203: {  	v7 =	vmul.f32 v7, v41;
	v13 =	vld.idx.msk [tilespmem:v63+s9+$0x0], $0xffff;
	v45 =	vmul.f32 v43, v43;
	v1 =	vadd.f32 v32, v1  }
0x204: {  	v41 =	vld.idx.msk [tilespmem:v63+s10+$0x0], $0xffff;
	v0 =	vadd.f32 v18, v0;
	v46 =	vmul.f32 v39, v39;
	v4 =	vadd.f32 v47, v4  }
0x205: {  	v19 =	vmul.f32 v36, v19;
	v18 =	vld.idx.msk [tilespmem:v62+s9+$0x0], $0xffff;
	v1 =	vadd.f32 v45, v1;
	v47 =	vmul.f32 v37, v37  }
0x206: {  	v36 =	vld.idx.msk [tilespmem:v62+s10+$0x0], $0xffff;
	v0 =	vadd.f32 v7, v0;
	v62 =	vmul.f32 v15, v15;
	v4 =	vadd.f32 v46, v4  }
0x207: {  	v11 =	vmul.f32 v17, v11;
	v7 =	vld.idx.msk [tilespmem:v61+s9+$0x0], $0xffff;
	v63 =	vmul.f32 v44, v44;
	v1 =	vadd.f32 v47, v1  }
0x208: {  	v17 =	vld.idx.msk [tilespmem:v61+s10+$0x0], $0xffff;
	v0 =	vadd.f32 v19, v0;
	v45 =	vmul.f32 v13, v13;
	v4 =	vadd.f32 v62, v4  }
0x209: {  	v9 =	vmul.f32 v9, v10;
	v19 =	vld.idx.msk [tilespmem:v60+s9+$0x0], $0xffff;
	v46 =	vmul.f32 v41, v41;
	v1 =	vadd.f32 v63, v1  }
0x20a: {  	v10 =	vld.idx.msk [tilespmem:v60+s10+$0x0], $0xffff;
	v0 =	vadd.f32 v11, v0;
	v47 =	vmul.f32 v18, v18;
	v4 =	vadd.f32 v45, v4  }
0x20b: {  	v21 =	vmul.f32 v40, v21;
	v60 =	vmul.f32 v36, v36;
	v11 =	vld.idx.msk [tilespmem:v59+s9+$0x0], $0xffff;
	v1 =	vadd.f32 v46, v1  }
0x20c: {  	v40 =	vld.idx.msk [tilespmem:v59+s10+$0x0], $0xffff;
	v61 =	vmul.f32 v7, v7;
	v0 =	vadd.f32 v9, v0;
	v4 =	vadd.f32 v47, v4  }
0x20d: {  	v20 =	vmul.f32 v34, v20;
	v9 =	vld.idx.msk [tilespmem:v58+s9+$0x0], $0xffff;
	v62 =	vmul.f32 v17, v17;
	v1 =	vadd.f32 v60, v1  }
0x20e: {  	v34 =	vld.idx.msk [tilespmem:v58+s10+$0x0], $0xffff;
	v0 =	vadd.f32 v21, v0;
	v63 =	vmul.f32 v19, v19;
	v4 =	vadd.f32 v61, v4  }
0x20f: {  	v8 =	vmul.f32 v8, v16;
	v21 =	vld.idx.msk [tilespmem:v57+s9+$0x0], $0xffff;
	v45 =	vmul.f32 v10, v10;
	v1 =	vadd.f32 v62, v1  }
0x210: {  	v16 =	vld.idx.msk [tilespmem:v57+s10+$0x0], $0xffff;
	v0 =	vadd.f32 v20, v0;
	v46 =	vmul.f32 v11, v11;
	v4 =	vadd.f32 v63, v4  }
0x211: {  	v14 =	vmul.f32 v31, v14;
	v20 =	vld.idx.msk [tilespmem:v56+s9+$0x0], $0xffff;
	v47 =	vmul.f32 v40, v40;
	v1 =	vadd.f32 v45, v1  }
0x212: {  	v31 =	vld.idx.msk [tilespmem:v56+s10+$0x0], $0xffff;
	v56 =	vmul.f32 v9, v9;
	v0 =	vadd.f32 v8, v0;
	v4 =	vadd.f32 v46, v4  }
0x213: {  	v6 =	vmul.f32 v24, v6;
	v57 =	vmul.f32 v34, v34;
	v8 =	vld.idx.msk [tilespmem:v55+s9+$0x0], $0xffff;
	v1 =	vadd.f32 v47, v1  }
0x214: {  	v24 =	vld.idx.msk [tilespmem:v55+s10+$0x0], $0xffff;
	v58 =	vmul.f32 v21, v21;
	v0 =	vadd.f32 v14, v0;
	v4 =	vadd.f32 v56, v4  }
0x215: {  	v3 =	vmul.f32 v33, v3;
	v59 =	vmul.f32 v16, v16;
	v14 =	vld.idx.msk [tilespmem:v54+s9+$0x0], $0xffff;
	v1 =	vadd.f32 v57, v1  }
0x216: {  	v33 =	vld.idx.msk [tilespmem:v54+s10+$0x0], $0xffff;
	v0 =	vadd.f32 v6, v0;
	v60 =	vmul.f32 v20, v20;
	v4 =	vadd.f32 v58, v4  }
0x217: {  	v2 =	vmul.f32 v38, v2;
	v6 =	vld.idx.msk [tilespmem:v53+s9+$0x0], $0xffff;
	v61 =	vmul.f32 v31, v31;
	v1 =	vadd.f32 v59, v1  }
0x218: {  	v38 =	vld.idx.msk [tilespmem:v53+s10+$0x0], $0xffff;
	v0 =	vadd.f32 v3, v0;
	v62 =	vmul.f32 v8, v8;
	v4 =	vadd.f32 v60, v4  }
0x219: {  	v5 =	vmul.f32 v42, v5;
	v3 =	vld.idx.msk [tilespmem:v52+s9+$0x0], $0xffff;
	v63 =	vmul.f32 v24, v24;
	v1 =	vadd.f32 v61, v1  }
0x21a: {  	v42 =	vld.idx.msk [tilespmem:v52+s10+$0x0], $0xffff;
	v0 =	vadd.f32 v2, v0;
	v45 =	vmul.f32 v14, v14;
	v4 =	vadd.f32 v62, v4  }
0x21b: {  	v12 =	vmul.f32 v43, v12;
	v2 =	vld.idx.msk [tilespmem:v51+s9+$0x0], $0xffff;
	v46 =	vmul.f32 v33, v33;
	v1 =	vadd.f32 v63, v1  }
0x21c: {  	v43 =	vld.idx.msk [tilespmem:v51+s10+$0x0], $0xffff;
	v0 =	vadd.f32 v5, v0;
	v47 =	vmul.f32 v6, v6;
	v4 =	vadd.f32 v45, v4  }
0x21d: {  	v37 =	vmul.f32 v37, v39;
	v51 =	vmul.f32 v38, v38;
	v5 =	vld.idx.msk [tilespmem:v50+s9+$0x0], $0xffff;
	v1 =	vadd.f32 v46, v1  }
0x21e: {  	v52 =	vmul.f32 v3, v3;
	v0 =	vadd.f32 v12, v0;
	v12 =	vld.idx.msk [tilespmem:v50+s10+$0x0], $0xffff;
	v4 =	vadd.f32 v47, v4  }
0x21f: {  	v15 =	vmul.f32 v44, v15;
	v53 =	vmul.f32 v42, v42;
	v1 =	vadd.f32 v51, v1  }
0x220: {  	v54 =	vmul.f32 v2, v2;
	v0 =	vadd.f32 v37, v0;
	v4 =	vadd.f32 v52, v4  }
0x221: {  	v55 =	vmul.f32 v43, v43;
	v13 =	vmul.f32 v41, v13;
	v1 =	vadd.f32 v53, v1  }
0x222: {  	v0 =	vadd.f32 v15, v0;
	v56 =	vmul.f32 v5, v5;
	v4 =	vadd.f32 v54, v4  }
0x223: {  	v57 =	vmul.f32 v12, v12;
	v1 =	vadd.f32 v55, v1  }
0x224: {  	v0 =	vadd.f32 v13, v0;
	v58 =	vmul.f32 v36, v18;
	v4 =	vadd.f32 v56, v4  }
0x225: {  	v7 =	vmul.f32 v17, v7;
	v1 =	vadd.f32 v57, v1  }
0x226: {  	v10 =	vmul.f32 v10, v19;
	v0 =	vadd.f32 v58, v0;
	v59 =	vshra.s32 v4, $0x1  }
0x227: {  	v60 =	vmul.f32 $5.000000000e-01, v4;
	v62 =	vshra.s32 v1, $0x1;
	v63 =	vmul.f32 $5.000000000e-01, v1  }
0x228: {  	v0 =	vadd.f32 v7, v0;
	v61 =	vsub.s32 $0x5F3759DF, v59;
	v17 =	vsub.s32 $0x5F3759DF, v62  }
0x229: {  	v15 =	vmul.f32 v61, v60;
	v32 =	vmul.f32 v17, v63  }
0x22a: {  	v19 =	vmul.f32 v40, v11;
	v0 =	vadd.f32 v10, v0  }
0x22b: {  	v15 =	vmul.f32 v61, v15;
	v35 =	vmul.f32 v17, v32  }
0x22c: {  	v9 =	vmul.f32 v34, v9;
	v0 =	vadd.f32 v19, v0  }
0x22d: {  	v15 =	vsub.f32 $1.500000000e+00, v15;
	v37 =	vsub.f32 $1.500000000e+00, v35  }
0x22e: {  	v39 =	vmul.f32 v16, v21;
	v0 =	vadd.f32 v9, v0  }
0x22f: {  	v36 =	vmul.f32 v61, v15;
	v9 =	vmul.f32 v17, v37  }
0x230: {  	v40 =	vmul.f32 v31, v20;
	v0 =	vadd.f32 v39, v0  }
0x231: {  	v13 =	vmul.f32 v36, v60;
	v41 =	vmul.f32 v9, v63  }
0x232: {  	v8 =	vmul.f32 v24, v8;
	v0 =	vadd.f32 v40, v0  }
0x233: {  	v13 =	vmul.f32 v13, v36;
	v10 =	vmul.f32 v41, v9  }
0x234: {  	v44 =	vmul.f32 v33, v14;
	v0 =	vadd.f32 v8, v0  }
0x235: {  	v13 =	vsub.f32 $1.500000000e+00, v13;
	v45 =	vsub.f32 $1.500000000e+00, v10  }
0x236: {  	v6 =	vmul.f32 v38, v6;
	v0 =	vadd.f32 v44, v0  }
0x237: {  	v11 =	vmul.f32 v13, v36;
	v8 =	vmul.f32 v45, v9  }
0x238: {  	v3 =	vmul.f32 v42, v3;
	v2 =	vmul.f32 v43, v2;
	v0 =	vadd.f32 v6, v0  }
0x239: {  	v51 =	vadd.f32 v28, v27;
	v46 =	vmul.f32 v11, v60;
	v50 =	vmul.f32 v8, v63  }
0x23a: {  	v52 =	vmul.f32 v30, v25;
	v53 =	vmul.f32 v29, v26;
	v0 =	vadd.f32 v3, v0  }
0x23b: {  	v7 =	vadd.f32 v51, v51;
	v47 =	vmul.f32 v46, v11;
	v54 =	vmul.f32 v50, v8  }
0x23c: {  	v55 =	vmul.f32 v12, v5;
	v58 =	vmin.f32 v53, $9.999999950e+11;
	v0 =	vadd.f32 v2, v0  }
0x23d: {  	v57 =	vmin.f32 v52, $9.999999950e+11;
	v6 =	vsub.f32 $1.500000000e+00, v47;
	v2 =	vsub.f32 $1.500000000e+00, v54  }
0x23e: {  	v59 =	vmul.f32 v57, v22;
	v0 =	vadd.f32 v55, v0;
	v60 =	vmul.f32 v58, v23  }
0x23f: {  	v56 =	vmul.f32 v6, v11;
	v2 =	vmul.f32 v2, v8  }
0x240: {  	v61 =	vmul.f32 v57, v7;
	v0 =	vadd.f32 v0, v0;
	v62 =	vmul.f32 v60, v58  }
0x241: {  	v6 =	vmul.f32 v59, v57;
	v5 =	vmin.f32 v56, $9.999999950e+11;
	v2 =	vmin.f32 v2, $9.999999950e+11  }
0x242: {  	v4 =	vmul.f32 v5, v4;
	v1 =	vmul.f32 v2, v1  }
0x243: {  	v3 =	vmul.f32 v58, v61;
	v0 =	vmul.f32 v5, v0  }
0x244: {  	v6 =	vadd.f32 v62, v6;
	v4 =	vmul.f32 v4, v5;
	v1 =	vmul.f32 v1, v2;
	_ =	sdelay $0x1  }
0x245: {  	v3 =	vsub.f32 v6, v3;
	v0 =	vmul.f32 v2, v0;
	v1 =	vadd.f32 v1, v4;
	_ =	sdelay $0x1  }
0x246: {  	v63 =	vmax.f32 v3, $9.999999960e-13;
	v0 =	vsub.f32 v1, v0  }
0x247: {  	v1 =	vmin.f32 v63, $9.999999950e+11  }
0x248: {  	v1 =	vadd.f32 v1, v49;
	v0 =	vmax.f32 v0, $9.999999960e-13  }
0x249: {  	v0 =	vmin.f32 v0, $9.999999950e+11  }
0x24a: {  	v0 =	vadd.f32 v0, v1;
	_ =	sdelay $0x1  }
0x24b: {  	s13 =	sadd.s32 $0x1, s13;
	v0 =	vmul.f32 $6.103515630e-05, v0  }
0x24c: {  	p0 =	sne.s32 s13, s7  }
.Ltmp1:
0x24d: {  	[tilespmem:$0x10200] =	vst v0;
	(pc) =	sbr.rel @p0 .LBB2_1-.Ltmp1, $4  }
0x24e: {  	[hbm4b:s6+s2] =	stream.linear.scatter [tilespmem:s12], [sflag:$0x2], $0x10, $0x38;
	[tilespmem:$0x10210] =	vst v63  }
0x24f: {  	_ =	swait.ge [sflag:s8], $0x10  }
0x250: {  	[sflag:s8] =	ssyncset.done $0x0  }
0x251: {  	[sflag:s8] =	ssyncadd.s32 $0xFFFFFFF0  }
0x252: {  	_ =	sfence.sel $0x180000  }
0x253: {  	[bflag:$0x0] =	sbarrier.arrive $0xFFFF  }
0x254: {  	p0 =	sne.s32 s1, $0x0;
	_ =	strace $0x90000047  }
0x255: {  	s0 =	sadd.s32 @!p0 $0x100000, s0;
	[bflag:$0x2] =	sbarrier.arrive $0xFFFF  }
0x256: {  	[sflag:s0] =	ssyncadd.tile.s32 @!p0 $0x1;
	_ =	shalt  }
.Lfunc_end2:
_tile_overlayer_lowered:
.L_overlay_start_2:
0x257: {  	(tag) =	ssettag $0x2  }
0x258: {  	s0 =	rddreg [dreg:$0x0];
	s2 =	stileid.u32  }
0x259: {  	s1 =	rddreg [dreg:$0x1];
	p0 =	sne.s32 s2, $0x0  }
0x25a: {  	s3 =	rddreg [dreg:$0x2];
	[bflag:$0x3] =	sbarrier.arrive $0xFFFF;
	s2 =	simm.s32 @!p0 $0x1C02  }
0x25b: {  	[timem:s3], [sflag:s2] =	dma.local @!p0 [hbm:s0], s1  }
0x25c: {  	s0 =	simm.s32 @!p0 $0x2  }
0x25d: {  	_ =	swait.ge @!p0 [sflag:s0], s1  }
0x25e: {  	s1 =	ssub.s32 @!p0 $0x0, s1;
	[sflag:s0] =	ssyncset.done @!p0 $0x0  }
0x25f: {  	[sflag:s0] =	ssyncadd.s32 @!p0 s1  }
0x260: {  	[bflag:$0x3] =	sbarrier.arrive $0xFFFF  }
0x261: {  	_ =	shalt  }

</sc_bundles>
